<compile_context>
chip_gen: v7x
topology: tpu7x:2x2x1
jax: 0.10.2.dev20260603
libtpu: 0.0.44.dev20260713+nightly
codegen_flags: <defaults>
</compile_context>

<pallas_src>
import functools

import jax
import jax.numpy as jnp
from jax import lax
from jax.experimental import pallas as pl
from jax.experimental.pallas import tpu as pltpu
from jax.experimental.pallas import tpu_sc as plsc

N = 320000
D = 128
B = 64
NC = 2
NS = 16
NW = NC * NS

N_TC = 153600
N_SC = N - N_TC
G = 1024
TC_STEPS = N_TC // G

ROWS_PER_W = N_SC // NW
R = 80
NB = 400
K = NB // R
BLOCKS = ROWS_PER_W // NB
ITERS = ROWS_PER_W // R
RPT = B // NS


def _sc_segment_sums(features, point_idx):
    mesh = plsc.VectorSubcoreMesh(
        core_axis_name="c", subcore_axis_name="s",
        num_cores=NC, num_subcores=NS)

    idx3 = point_idx[N_TC:].reshape(NW, ITERS, R)

    @functools.partial(
        pl.kernel,
        out_type=jax.ShapeDtypeStruct((NC, B, D), jnp.float32),
        mesh=mesh,
        scratch_types=[
            pltpu.VMEM((ITERS, R), jnp.int32),
            pltpu.VMEM((2, NB, D), jnp.float32),
            pltpu.VMEM_SHARED((B, D), jnp.float32),
            pltpu.SemaphoreType.DMA,
            pltpu.SemaphoreType.DMA,
            pltpu.SemaphoreType.DMA,
            pltpu.SemaphoreType.DMA,
        ],
    )
    def seg_sum(feat_hbm, idx_hbm, sums_hbm,
                idx_v, rows_v, acc_s, sem0, sem1, semsc0, semsc1):
        cid = lax.axis_index("c")
        sid = lax.axis_index("s")
        wid = cid * NS + sid
        base = N_TC + wid * ROWS_PER_W

        zeros16 = jnp.zeros((16,), jnp.float32)

        idx_copy = pltpu.async_copy(idx_hbm.at[wid], idx_v, sem0)

        def init_zrow(i, _):
            def init_zcol(j, _):
                rows_v[0, i, pl.ds(16 * j, 16)] = zeros16
                return 0
            lax.fori_loop(0, D // 16, init_zcol, 0)
            return 0
        lax.fori_loop(0, RPT, init_zrow, 0)

        pltpu.sync_copy(rows_v.at[0, pl.ds(0, RPT), :],
                        acc_s.at[pl.ds(RPT * sid, RPT), :])
        idx_copy.wait()
        plsc.subcore_barrier()

        def feat_copy(bi, buf):
            return pltpu.async_copy(
                feat_hbm.at[pl.ds(base + bi * NB, NB), :],
                rows_v.at[buf], sem0 if buf == 0 else sem1)

        feat_copy(0, 0)
        feat_copy(1, 1)

        def scat_wait(bi, buf):
            for j in range(K):
                pltpu.make_async_copy(
                    rows_v.at[buf, pl.ds(j * R, R), :],
                    acc_s.at[idx_v.at[bi * K + j]],
                    semsc0 if buf == 0 else semsc1).wait()

        def step(bi, _):
            def do(buf):
                pltpu.make_async_copy(
                    feat_hbm.at[pl.ds(base + bi * NB, NB), :],
                    rows_v.at[buf], sem0 if buf == 0 else sem1).wait()
                for j in range(K):
                    pltpu.async_copy(
                        rows_v.at[buf, pl.ds(j * R, R), :],
                        acc_s.at[idx_v.at[bi * K + j]],
                        semsc0 if buf == 0 else semsc1, add=True)

                @pl.when(bi >= 1)
                def _():
                    scat_wait(bi - 1, 1 - buf)

                    @pl.when(bi + 1 < BLOCKS)
                    def _():
                        feat_copy(bi + 1, 1 - buf)

            @pl.when(lax.rem(bi, 2) == 0)
            def _():
                do(0)

            @pl.when(lax.rem(bi, 2) == 1)
            def _():
                do(1)
            return 0
        lax.fori_loop(0, BLOCKS, step, 0)

        scat_wait(BLOCKS - 1, (BLOCKS - 1) % 2)

        plsc.subcore_barrier()

        @pl.when(sid == 0)
        def _():
            pltpu.sync_copy(acc_s, sums_hbm.at[cid])

    return seg_sum(features, idx3)


def _tc_partial_sums(features, point_idx):
    idx_col = point_idx.reshape(N, 1)

    def body(i_ref, f_ref, o_ref):
        g = pl.program_id(0)

        @pl.when(g == 0)
        def _():
            o_ref[...] = jnp.zeros((B, D), jnp.float32)

        ids = i_ref[...]
        cols = lax.broadcasted_iota(jnp.int32, (G, B), 1)
        oh = (ids == cols).astype(jnp.float32)
        partial = lax.dot_general(
            oh, f_ref[...], (((0,), (0,)), ((), ())),
            preferred_element_type=jnp.float32)
        o_ref[...] += partial

    return pl.pallas_call(
        body,
        grid=(TC_STEPS,),
        in_specs=[
            pl.BlockSpec((G, 1), lambda g: (g, 0)),
            pl.BlockSpec((G, D), lambda g: (g, 0)),
        ],
        out_specs=pl.BlockSpec((B, D), lambda g: (0, 0)),
        out_shape=jax.ShapeDtypeStruct((B, D), jnp.float32),
        compiler_params=pltpu.CompilerParams(
            dimension_semantics=("arbitrary",)),
    )(idx_col, features)


def _tc_counts(point_idx):
    idx2 = point_idx.reshape(N // D, D)

    def body(i_ref, c_ref):
        idx = i_ref[...]
        for b in range(B):
            cnt = jnp.sum((idx == b).astype(jnp.float32))
            c_ref[b, :] = jnp.full((D,), cnt, jnp.float32)

    return pl.pallas_call(
        body,
        out_shape=jax.ShapeDtypeStruct((B, D), jnp.float32),
    )(idx2)


def _tc_combine(sums_sc, sums_tc, counts):
    def body(s_ref, t_ref, c_ref, o_ref):
        s = s_ref[0] + s_ref[1] + t_ref[...]
        o_ref[...] = s / c_ref[...]

    return pl.pallas_call(
        body,
        out_shape=jax.ShapeDtypeStruct((B, D), jnp.float32),
    )(sums_sc, sums_tc, counts)


def kernel(features, point_idx):
    sums_sc = _sc_segment_sums(features, point_idx)
    sums_tc = _tc_partial_sums(features, point_idx)
    counts = _tc_counts(point_idx)
    return _tc_combine(sums_sc, sums_tc, counts)

# --- scband reference (transcript-rebuilt; emitter-appended) ---
"""Pipeline reference for scband-global-mean-pooling-73461120631369 (READ-ONLY COPY).

The authoritative reference and input builder live on the scoring server;
editing this copy changes nothing except your own understanding.
"""

import jax, jax.numpy as jnp
import numpy as np

N = 320000
D = 128
B = 64


def setup_inputs(seed: int = 0) -> dict:
    key = jax.random.key(seed)
    k1, k2 = jax.random.split(key)
    features = jax.random.normal(k1, (N, D), dtype=jnp.float32)
    point_idx = jnp.sort(jax.random.randint(k2, (N,), 0, B, dtype=jnp.int32))
    return {"features": features, "point_idx": point_idx}


def reference(features, point_idx):
    # Faithful to GlobalMeanPooling.forward: per-batch-index mean over point features.
    # Original loops i in range(max_idx+1) computing mean(feature[point_idx == i]);
    # equivalent to a segment-mean with num_segments = max(point_idx)+1.
    n_seg = B
    sums = jax.ops.segment_sum(features, point_idx, num_segments=n_seg)
    counts = jax.ops.segment_sum(jnp.ones((features.shape[0],), dtype=features.dtype), point_idx, num_segments=n_seg)
    return sums / counts[:, None]

if __name__ == "__main__":
    import jax
    _d = setup_inputs()
    print(jax.jit(kernel)(*tuple(_d.values())))

</pallas_src>

<mosaic_0001>
#map = affine_map<(d0, d1) -> (0, 0)>
#map1 = affine_map<(d0, d1) -> (0, 0, 0)>
module attributes {stable_mosaic.version = 14 : i64} {
  func.func @seg_sum(%arg0: i32, %arg1: i32, %arg2: memref<320000x128xf32, #tpu.memory_space<hbm>>, %arg3: memref<32x65x80xi32, #tpu.memory_space<hbm>>, %arg4: memref<2x64x128xf32, #tpu.memory_space<hbm>>, %arg5: memref<65x80xi32, #tpu.memory_space<vmem>>, %arg6: memref<2x400x128xf32, #tpu.memory_space<vmem>>, %arg7: memref<64x128xf32, #tpu.memory_space<vmem_shared>>, %arg8: memref<!tpu.dma_semaphore, #tpu.memory_space<semaphore_mem>>, %arg9: memref<!tpu.dma_semaphore, #tpu.memory_space<semaphore_mem>>, %arg10: memref<!tpu.dma_semaphore, #tpu.memory_space<semaphore_mem>>, %arg11: memref<!tpu.dma_semaphore, #tpu.memory_space<semaphore_mem>>) attributes {dimension_semantics = [#tpu.dimension_semantics<core_parallel>, #tpu.dimension_semantics<subcore_parallel>], iteration_bounds = array<i64: 2, 16>, scalar_prefetch = 0 : i64, scratch_operands = 7 : i64, tpu.core_type = #tpu.core_type<sc_vector_subcore>, window_params = [{transform_indices = #map}, {transform_indices = #map1}, {transform_indices = #map1}]} {
    %mul3A = arith.constant 16 : i32
    %mul3A_0 = arith.muli %arg0, %mul3A : i32
    %add3A = arith.addi %mul3A_0, %arg1 : i32
    %mul3A_1 = arith.constant 5200 : i32
    %mul3A_2 = arith.muli %add3A, %mul3A_1 : i32
    %add3A_3 = arith.constant 153600 : i32
    %add3A_4 = arith.addi %add3A_3, %mul3A_2 : i32
    %broadcast_in_dim3A = arith.constant 0.000000e+00 : f32
    %broadcast_in_dim3A_5 = vector.broadcast %broadcast_in_dim3A : f32 to vector<16xf32>
    %dma_start3A = arith.constant 0 : i32
    %dma_start3A_6 = arith.constant 0 : i32
    %dma_start3A_7 = tpu.memref_slice %arg3[%add3A, %dma_start3A, %dma_start3A_6] : memref<32x65x80xi32, #tpu.memory_space<hbm>> -> memref<1x65x80xi32, #tpu.memory_space<hbm>>
    %dma_start3A_8 = tpu.memref_squeeze %dma_start3A_7 : memref<1x65x80xi32, #tpu.memory_space<hbm>> -> memref<65x80xi32, #tpu.memory_space<hbm>>
    %dma_start3A_9 = arith.constant 0 : i32
    %dma_start3A_10 = arith.constant 0 : i32
    %dma_start3A_11 = tpu.memref_slice %arg3[%add3A, %dma_start3A_9, %dma_start3A_10] : memref<32x65x80xi32, #tpu.memory_space<hbm>> -> memref<1x65x80xi32, #tpu.memory_space<hbm>>
    %dma_start3A_12 = tpu.memref_squeeze %dma_start3A_11 : memref<1x65x80xi32, #tpu.memory_space<hbm>> -> memref<65x80xi32, #tpu.memory_space<hbm>>
    tpu.enqueue_dma source(%dma_start3A_12 : memref<65x80xi32, #tpu.memory_space<hbm>>) target(%arg5 : memref<65x80xi32, #tpu.memory_space<vmem>>) target_semaphore(%arg8 : memref<!tpu.dma_semaphore, #tpu.memory_space<semaphore_mem>>)
    %scan3A = arith.constant 0 : i32
    %scan3A_13 = arith.constant 0 : i32
    %scan3A_14 = arith.constant 4 : i32
    %scan3A_15 = arith.addi %scan3A_13, %scan3A_14 : i32
    %scan3A_16 = arith.constant 1 : i32
    %scan3A_17 = scf.for %scan3A_128 = %scan3A_13 to %scan3A_15 step %scan3A_16 iter_args(%scan3A_129 = %scan3A) -> (i32)  : i32 {
      %scan3A_130 = arith.constant 0 : i32
      %scan3A_131 = arith.constant 0 : i32
      %scan3A_132 = arith.constant 8 : i32
      %scan3A_133 = arith.addi %scan3A_131, %scan3A_132 : i32
      %scan3A_134 = arith.constant 1 : i32
      %scan3A_135 = scf.for %scan3A_138 = %scan3A_131 to %scan3A_133 step %scan3A_134 iter_args(%scan3A_139 = %scan3A_130) -> (i32)  : i32 {
        %mul3A_140 = arith.constant 16 : i32
        %mul3A_141 = arith.muli %mul3A_140, %scan3A_138 : i32
        %swap3A = arith.constant 0 : i32
        %swap3A_142 = arith.index_cast %swap3A : i32 to index
        %swap3A_143 = arith.index_cast %scan3A_128 : i32 to index
        %swap3A_144 = arith.index_cast %mul3A_141 : i32 to index
        %swap3A_145 = tpu.vector_load %arg6[%swap3A_142, %swap3A_143, %swap3A_144] {strides = array<i32>} : memref<2x400x128xf32, #tpu.memory_space<vmem>>, vector<1x1x16xf32>,
        %swap3A_146 = vector.shape_cast %swap3A_145 : vector<1x1x16xf32> to vector<16xf32>
        %swap3A_147 = vector.shape_cast %broadcast_in_dim3A_5 : vector<16xf32> to vector<1x1x16xf32>
        tpu.vector_store %arg6[%swap3A_142, %swap3A_143, %swap3A_144], %swap3A_147 {strides = array<i32>} : memref<2x400x128xf32, #tpu.memory_space<vmem>>, vector<1x1x16xf32>,
        %scan3A_148 = arith.constant 0 : i32
        scf.yield %scan3A_148 : i32
      }
      %scan3A_136 = arith.constant 8 : i32
      %scan3A_137 = arith.constant 0 : i32
      scf.yield %scan3A_137 : i32
    }
    %scan3A_18 = arith.constant 4 : i32
    %mul3A_19 = arith.constant 4 : i32
    %mul3A_20 = arith.muli %mul3A_19, %arg1 : i32
    %run_scoped3A = arith.constant 0 : i32
    "tpu.region"() ({
      %run_scoped3A_128 = tpu.sem_alloc : memref<!tpu.dma_semaphore, #tpu.memory_space<semaphore_mem>>
      %dma_start3A_129 = arith.constant 0 : i32
      %dma_start3A_130 = arith.constant 0 : i32
      %dma_start3A_131 = tpu.memref_slice %arg6[%run_scoped3A, %dma_start3A_129, %dma_start3A_130] : memref<2x400x128xf32, #tpu.memory_space<vmem>> -> memref<1x4x128xf32, #tpu.memory_space<vmem>>
      %dma_start3A_132 = tpu.memref_squeeze %dma_start3A_131 : memref<1x4x128xf32, #tpu.memory_space<vmem>> -> memref<4x128xf32, #tpu.memory_space<vmem>>
      %dma_start3A_133 = arith.constant 0 : i32
      %dma_start3A_134 = tpu.memref_slice %arg7[%mul3A_20, %dma_start3A_133] : memref<64x128xf32, #tpu.memory_space<vmem_shared>> -> memref<4x128xf32, #tpu.memory_space<vmem_shared>>
      %dma_start3A_135 = arith.constant 0 : i32
      %dma_start3A_136 = tpu.memref_slice %arg7[%mul3A_20, %dma_start3A_135] : memref<64x128xf32, #tpu.memory_space<vmem_shared>> -> memref<4x128xf32, #tpu.memory_space<vmem_shared>>
      %dma_start3A_137 = arith.constant 0 : i32
      %dma_start3A_138 = arith.constant 0 : i32
      %dma_start3A_139 = tpu.memref_slice %arg6[%run_scoped3A, %dma_start3A_137, %dma_start3A_138] : memref<2x400x128xf32, #tpu.memory_space<vmem>> -> memref<1x4x128xf32, #tpu.memory_space<vmem>>
      %dma_start3A_140 = tpu.memref_squeeze %dma_start3A_139 : memref<1x4x128xf32, #tpu.memory_space<vmem>> -> memref<4x128xf32, #tpu.memory_space<vmem>>
      tpu.enqueue_dma source(%dma_start3A_140 : memref<4x128xf32, #tpu.memory_space<vmem>>) target(%dma_start3A_136 : memref<4x128xf32, #tpu.memory_space<vmem_shared>>) target_semaphore(%run_scoped3A_128 : memref<!tpu.dma_semaphore, #tpu.memory_space<semaphore_mem>>)
      %dma_wait3A_141 = arith.constant 0 : i32
      %dma_wait3A_142 = arith.constant 0 : i32
      %dma_wait3A_143 = tpu.memref_slice %arg6[%run_scoped3A, %dma_wait3A_141, %dma_wait3A_142] : memref<2x400x128xf32, #tpu.memory_space<vmem>> -> memref<1x4x128xf32, #tpu.memory_space<vmem>>
      %dma_wait3A_144 = tpu.memref_squeeze %dma_wait3A_143 : memref<1x4x128xf32, #tpu.memory_space<vmem>> -> memref<4x128xf32, #tpu.memory_space<vmem>>
      %dma_wait3A_145 = arith.constant 0 : i32
      %dma_wait3A_146 = tpu.memref_slice %arg7[%mul3A_20, %dma_wait3A_145] : memref<64x128xf32, #tpu.memory_space<vmem_shared>> -> memref<4x128xf32, #tpu.memory_space<vmem_shared>>
      %dma_wait3A_147 = arith.constant 0 : i32
      %dma_wait3A_148 = tpu.memref_slice %arg7[%mul3A_20, %dma_wait3A_147] : memref<64x128xf32, #tpu.memory_space<vmem_shared>> -> memref<4x128xf32, #tpu.memory_space<vmem_shared>>
      %dma_wait3A_149 = arith.constant 0 : i32
      %dma_wait3A_150 = arith.constant 0 : i32
      %dma_wait3A_151 = tpu.memref_slice %arg6[%run_scoped3A, %dma_wait3A_149, %dma_wait3A_150] : memref<2x400x128xf32, #tpu.memory_space<vmem>> -> memref<1x4x128xf32, #tpu.memory_space<vmem>>
      %dma_wait3A_152 = tpu.memref_squeeze %dma_wait3A_151 : memref<1x4x128xf32, #tpu.memory_space<vmem>> -> memref<4x128xf32, #tpu.memory_space<vmem>>
      tpu.wait_dma2 semaphore(%run_scoped3A_128 : memref<!tpu.dma_semaphore, #tpu.memory_space<semaphore_mem>>) src(%dma_wait3A_152 : memref<4x128xf32, #tpu.memory_space<vmem>>) dst(%dma_wait3A_148 : memref<4x128xf32, #tpu.memory_space<vmem_shared>>)
      tpu.yield
    }) : () -> ()
    %dma_wait3A = arith.constant 0 : i32
    %dma_wait3A_21 = arith.constant 0 : i32
    %dma_wait3A_22 = tpu.memref_slice %arg3[%add3A, %dma_wait3A, %dma_wait3A_21] : memref<32x65x80xi32, #tpu.memory_space<hbm>> -> memref<1x65x80xi32, #tpu.memory_space<hbm>>
    %dma_wait3A_23 = tpu.memref_squeeze %dma_wait3A_22 : memref<1x65x80xi32, #tpu.memory_space<hbm>> -> memref<65x80xi32, #tpu.memory_space<hbm>>
    %dma_wait3A_24 = arith.constant 0 : i32
    %dma_wait3A_25 = arith.constant 0 : i32
    %dma_wait3A_26 = tpu.memref_slice %arg3[%add3A, %dma_wait3A_24, %dma_wait3A_25] : memref<32x65x80xi32, #tpu.memory_space<hbm>> -> memref<1x65x80xi32, #tpu.memory_space<hbm>>
    %dma_wait3A_27 = tpu.memref_squeeze %dma_wait3A_26 : memref<1x65x80xi32, #tpu.memory_space<hbm>> -> memref<65x80xi32, #tpu.memory_space<hbm>>
    tpu.wait_dma2 semaphore(%arg8 : memref<!tpu.dma_semaphore, #tpu.memory_space<semaphore_mem>>) src(%dma_wait3A_27 : memref<65x80xi32, #tpu.memory_space<hbm>>) dst(%arg5 : memref<65x80xi32, #tpu.memory_space<vmem>>)
    %barrier3A = arith.constant 0 : index
    tpu.barrier barrier_id(%barrier3A)
    %add3A_28 = arith.constant 0 : i32
    %add3A_29 = arith.addi %add3A_4, %add3A_28 : i32
    %dma_start3A_30 = arith.constant 0 : i32
    %dma_start3A_31 = arith.constant 0 : i32
    %dma_start3A_32 = arith.constant 0 : i32
    %dma_start3A_33 = tpu.memref_slice %arg6[%dma_start3A_30, %dma_start3A_31, %dma_start3A_32] : memref<2x400x128xf32, #tpu.memory_space<vmem>> -> memref<1x400x128xf32, #tpu.memory_space<vmem>>
    %dma_start3A_34 = tpu.memref_squeeze %dma_start3A_33 : memref<1x400x128xf32, #tpu.memory_space<vmem>> -> memref<400x128xf32, #tpu.memory_space<vmem>>
    %dma_start3A_35 = arith.constant 0 : i32
    %dma_start3A_36 = tpu.memref_slice %arg2[%add3A_29, %dma_start3A_35] : memref<320000x128xf32, #tpu.memory_space<hbm>> -> memref<400x128xf32, #tpu.memory_space<hbm>>
    %dma_start3A_37 = arith.constant 0 : i32
    %dma_start3A_38 = arith.constant 0 : i32
    %dma_start3A_39 = tpu.memref_slice %arg6[%dma_start3A_30, %dma_start3A_37, %dma_start3A_38] : memref<2x400x128xf32, #tpu.memory_space<vmem>> -> memref<1x400x128xf32, #tpu.memory_space<vmem>>
    %dma_start3A_40 = tpu.memref_squeeze %dma_start3A_39 : memref<1x400x128xf32, #tpu.memory_space<vmem>> -> memref<400x128xf32, #tpu.memory_space<vmem>>
    %dma_start3A_41 = arith.constant 0 : i32
    %dma_start3A_42 = tpu.memref_slice %arg2[%add3A_29, %dma_start3A_41] : memref<320000x128xf32, #tpu.memory_space<hbm>> -> memref<400x128xf32, #tpu.memory_space<hbm>>
    tpu.enqueue_dma source(%dma_start3A_42 : memref<400x128xf32, #tpu.memory_space<hbm>>) target(%dma_start3A_40 : memref<400x128xf32, #tpu.memory_space<vmem>>) target_semaphore(%arg8 : memref<!tpu.dma_semaphore, #tpu.memory_space<semaphore_mem>>)
    %add3A_43 = arith.constant 400 : i32
    %add3A_44 = arith.addi %add3A_4, %add3A_43 : i32
    %dma_start3A_45 = arith.constant 1 : i32
    %dma_start3A_46 = arith.constant 0 : i32
    %dma_start3A_47 = arith.constant 0 : i32
    %dma_start3A_48 = tpu.memref_slice %arg6[%dma_start3A_45, %dma_start3A_46, %dma_start3A_47] : memref<2x400x128xf32, #tpu.memory_space<vmem>> -> memref<1x400x128xf32, #tpu.memory_space<vmem>>
    %dma_start3A_49 = tpu.memref_squeeze %dma_start3A_48 : memref<1x400x128xf32, #tpu.memory_space<vmem>> -> memref<400x128xf32, #tpu.memory_space<vmem>>
    %dma_start3A_50 = arith.constant 0 : i32
    %dma_start3A_51 = tpu.memref_slice %arg2[%add3A_44, %dma_start3A_50] : memref<320000x128xf32, #tpu.memory_space<hbm>> -> memref<400x128xf32, #tpu.memory_space<hbm>>
    %dma_start3A_52 = arith.constant 0 : i32
    %dma_start3A_53 = arith.constant 0 : i32
    %dma_start3A_54 = tpu.memref_slice %arg6[%dma_start3A_45, %dma_start3A_52, %dma_start3A_53] : memref<2x400x128xf32, #tpu.memory_space<vmem>> -> memref<1x400x128xf32, #tpu.memory_space<vmem>>
    %dma_start3A_55 = tpu.memref_squeeze %dma_start3A_54 : memref<1x400x128xf32, #tpu.memory_space<vmem>> -> memref<400x128xf32, #tpu.memory_space<vmem>>
    %dma_start3A_56 = arith.constant 0 : i32
    %dma_start3A_57 = tpu.memref_slice %arg2[%add3A_44, %dma_start3A_56] : memref<320000x128xf32, #tpu.memory_space<hbm>> -> memref<400x128xf32, #tpu.memory_space<hbm>>
    tpu.enqueue_dma source(%dma_start3A_57 : memref<400x128xf32, #tpu.memory_space<hbm>>) target(%dma_start3A_55 : memref<400x128xf32, #tpu.memory_space<vmem>>) target_semaphore(%arg9 : memref<!tpu.dma_semaphore, #tpu.memory_space<semaphore_mem>>)
    %scan3A_58 = arith.constant 0 : i32
    %scan3A_59 = arith.constant 0 : i32
    %scan3A_60 = arith.constant 13 : i32
    %scan3A_61 = arith.addi %scan3A_59, %scan3A_60 : i32
    %scan3A_62 = arith.constant 1 : i32
    %scan3A_63 = scf.for %scan3A_128 = %scan3A_59 to %scan3A_61 step %scan3A_62 iter_args(%scan3A_129 = %scan3A_58) -> (i32)  : i32 {
      %rem3A = arith.constant 2 : i32
      %rem3A_130 = arith.remsi %scan3A_128, %rem3A : i32
      %eq3A_131 = arith.constant 0 : i32
      %eq3A_132 = arith.cmpi eq, %rem3A_130, %eq3A_131 : i32
      %convert_element_type3A_133 = arith.extui %eq3A_132 : i1 to i32
      %cond3A_134 = arith.constant 0 : i32
      %cond3A_135 = arith.cmpi ne, %convert_element_type3A_133, %cond3A_134 : i32
      scf.if %cond3A_135 {
        %mul3A_144 = arith.constant 400 : i32
        %mul3A_145 = arith.muli %scan3A_128, %mul3A_144 : i32
        %add3A_146 = arith.addi %add3A_4, %mul3A_145 : i32
        %dma_wait3A_147 = arith.constant 0 : i32
        %dma_wait3A_148 = arith.constant 0 : i32
        %dma_wait3A_149 = arith.constant 0 : i32
        %dma_wait3A_150 = tpu.memref_slice %arg6[%dma_wait3A_147, %dma_wait3A_148, %dma_wait3A_149] : memref<2x400x128xf32, #tpu.memory_space<vmem>> -> memref<1x400x128xf32, #tpu.memory_space<vmem>>
        %dma_wait3A_151 = tpu.memref_squeeze %dma_wait3A_150 : memref<1x400x128xf32, #tpu.memory_space<vmem>> -> memref<400x128xf32, #tpu.memory_space<vmem>>
        %dma_wait3A_152 = arith.constant 0 : i32
        %dma_wait3A_153 = tpu.memref_slice %arg2[%add3A_146, %dma_wait3A_152] : memref<320000x128xf32, #tpu.memory_space<hbm>> -> memref<400x128xf32, #tpu.memory_space<hbm>>
        %dma_wait3A_154 = arith.constant 0 : i32
        %dma_wait3A_155 = arith.constant 0 : i32
        %dma_wait3A_156 = tpu.memref_slice %arg6[%dma_wait3A_147, %dma_wait3A_154, %dma_wait3A_155] : memref<2x400x128xf32, #tpu.memory_space<vmem>> -> memref<1x400x128xf32, #tpu.memory_space<vmem>>
        %dma_wait3A_157 = tpu.memref_squeeze %dma_wait3A_156 : memref<1x400x128xf32, #tpu.memory_space<vmem>> -> memref<400x128xf32, #tpu.memory_space<vmem>>
        %dma_wait3A_158 = arith.constant 0 : i32
        %dma_wait3A_159 = tpu.memref_slice %arg2[%add3A_146, %dma_wait3A_158] : memref<320000x128xf32, #tpu.memory_space<hbm>> -> memref<400x128xf32, #tpu.memory_space<hbm>>
        tpu.wait_dma2 semaphore(%arg8 : memref<!tpu.dma_semaphore, #tpu.memory_space<semaphore_mem>>) src(%dma_wait3A_159 : memref<400x128xf32, #tpu.memory_space<hbm>>) dst(%dma_wait3A_157 : memref<400x128xf32, #tpu.memory_space<vmem>>)
        %mul3A_160 = arith.constant 5 : i32
        %mul3A_161 = arith.muli %scan3A_128, %mul3A_160 : i32
        %add3A_162 = arith.constant 0 : i32
        %add3A_163 = arith.addi %mul3A_161, %add3A_162 : i32
        %dma_start3A_164 = arith.constant 0 : i32
        %dma_start3A_165 = arith.constant 0 : i32
        %dma_start3A_166 = arith.constant 0 : i32
        %dma_start3A_167 = tpu.memref_slice %arg6[%dma_start3A_164, %dma_start3A_165, %dma_start3A_166] : memref<2x400x128xf32, #tpu.memory_space<vmem>> -> memref<1x80x128xf32, #tpu.memory_space<vmem>>
        %dma_start3A_168 = tpu.memref_squeeze %dma_start3A_167 : memref<1x80x128xf32, #tpu.memory_space<vmem>> -> memref<80x128xf32, #tpu.memory_space<vmem>>
        %dma_start3A_169 = arith.constant 0 : i32
        %dma_start3A_170 = tpu.memref_slice %arg5[%add3A_163, %dma_start3A_169] : memref<65x80xi32, #tpu.memory_space<vmem>> -> memref<1x80xi32, #tpu.memory_space<vmem>>
        %dma_start3A_171 = tpu.memref_squeeze %dma_start3A_170 : memref<1x80xi32, #tpu.memory_space<vmem>> -> memref<80xi32, #tpu.memory_space<vmem>>
        %dma_start3A_172 = arith.constant 0 : i32
        %dma_start3A_173 = arith.constant 0 : i32
        %dma_start3A_174 = tpu.memref_slice %arg7[%dma_start3A_172, %dma_start3A_173] : memref<64x128xf32, #tpu.memory_space<vmem_shared>> -> memref<64x128xf32, #tpu.memory_space<vmem_shared>>
        tpu.enqueue_indirect_dma source(%dma_start3A_168 : memref<80x128xf32, #tpu.memory_space<vmem>>) target(%dma_start3A_174 : memref<64x128xf32, #tpu.memory_space<vmem_shared>>) offsets(%dma_start3A_171 : memref<80xi32, #tpu.memory_space<vmem>>) semaphore(%arg10 : memref<!tpu.dma_semaphore, #tpu.memory_space<semaphore_mem>>) {add = true}
        %mul3A_175 = arith.constant 5 : i32
        %mul3A_176 = arith.muli %scan3A_128, %mul3A_175 : i32
        %add3A_177 = arith.constant 1 : i32
        %add3A_178 = arith.addi %mul3A_176, %add3A_177 : i32
        %dma_start3A_179 = arith.constant 0 : i32
        %dma_start3A_180 = arith.constant 80 : i32
        %dma_start3A_181 = arith.constant 0 : i32
        %dma_start3A_182 = tpu.memref_slice %arg6[%dma_start3A_179, %dma_start3A_180, %dma_start3A_181] : memref<2x400x128xf32, #tpu.memory_space<vmem>> -> memref<1x80x128xf32, #tpu.memory_space<vmem>>
        %dma_start3A_183 = tpu.memref_squeeze %dma_start3A_182 : memref<1x80x128xf32, #tpu.memory_space<vmem>> -> memref<80x128xf32, #tpu.memory_space<vmem>>
        %dma_start3A_184 = arith.constant 0 : i32
        %dma_start3A_185 = tpu.memref_slice %arg5[%add3A_178, %dma_start3A_184] : memref<65x80xi32, #tpu.memory_space<vmem>> -> memref<1x80xi32, #tpu.memory_space<vmem>>
        %dma_start3A_186 = tpu.memref_squeeze %dma_start3A_185 : memref<1x80xi32, #tpu.memory_space<vmem>> -> memref<80xi32, #tpu.memory_space<vmem>>
        %dma_start3A_187 = arith.constant 0 : i32
        %dma_start3A_188 = arith.constant 0 : i32
        %dma_start3A_189 = tpu.memref_slice %arg7[%dma_start3A_187, %dma_start3A_188] : memref<64x128xf32, #tpu.memory_space<vmem_shared>> -> memref<64x128xf32, #tpu.memory_space<vmem_shared>>
        tpu.enqueue_indirect_dma source(%dma_start3A_183 : memref<80x128xf32, #tpu.memory_space<vmem>>) target(%dma_start3A_189 : memref<64x128xf32, #tpu.memory_space<vmem_shared>>) offsets(%dma_start3A_186 : memref<80xi32, #tpu.memory_space<vmem>>) semaphore(%arg10 : memref<!tpu.dma_semaphore, #tpu.memory_space<semaphore_mem>>) {add = true}
        %mul3A_190 = arith.constant 5 : i32
        %mul3A_191 = arith.muli %scan3A_128, %mul3A_190 : i32
        %add3A_192 = arith.constant 2 : i32
        %add3A_193 = arith.addi %mul3A_191, %add3A_192 : i32
        %dma_start3A_194 = arith.constant 0 : i32
        %dma_start3A_195 = arith.constant 160 : i32
        %dma_start3A_196 = arith.constant 0 : i32
        %dma_start3A_197 = tpu.memref_slice %arg6[%dma_start3A_194, %dma_start3A_195, %dma_start3A_196] : memref<2x400x128xf32, #tpu.memory_space<vmem>> -> memref<1x80x128xf32, #tpu.memory_space<vmem>>
        %dma_start3A_198 = tpu.memref_squeeze %dma_start3A_197 : memref<1x80x128xf32, #tpu.memory_space<vmem>> -> memref<80x128xf32, #tpu.memory_space<vmem>>
        %dma_start3A_199 = arith.constant 0 : i32
        %dma_start3A_200 = tpu.memref_slice %arg5[%add3A_193, %dma_start3A_199] : memref<65x80xi32, #tpu.memory_space<vmem>> -> memref<1x80xi32, #tpu.memory_space<vmem>>
        %dma_start3A_201 = tpu.memref_squeeze %dma_start3A_200 : memref<1x80xi32, #tpu.memory_space<vmem>> -> memref<80xi32, #tpu.memory_space<vmem>>
        %dma_start3A_202 = arith.constant 0 : i32
        %dma_start3A_203 = arith.constant 0 : i32
        %dma_start3A_204 = tpu.memref_slice %arg7[%dma_start3A_202, %dma_start3A_203] : memref<64x128xf32, #tpu.memory_space<vmem_shared>> -> memref<64x128xf32, #tpu.memory_space<vmem_shared>>
        tpu.enqueue_indirect_dma source(%dma_start3A_198 : memref<80x128xf32, #tpu.memory_space<vmem>>) target(%dma_start3A_204 : memref<64x128xf32, #tpu.memory_space<vmem_shared>>) offsets(%dma_start3A_201 : memref<80xi32, #tpu.memory_space<vmem>>) semaphore(%arg10 : memref<!tpu.dma_semaphore, #tpu.memory_space<semaphore_mem>>) {add = true}
        %mul3A_205 = arith.constant 5 : i32
        %mul3A_206 = arith.muli %scan3A_128, %mul3A_205 : i32
        %add3A_207 = arith.constant 3 : i32
        %add3A_208 = arith.addi %mul3A_206, %add3A_207 : i32
        %dma_start3A_209 = arith.constant 0 : i32
        %dma_start3A_210 = arith.constant 240 : i32
        %dma_start3A_211 = arith.constant 0 : i32
        %dma_start3A_212 = tpu.memref_slice %arg6[%dma_start3A_209, %dma_start3A_210, %dma_start3A_211] : memref<2x400x128xf32, #tpu.memory_space<vmem>> -> memref<1x80x128xf32, #tpu.memory_space<vmem>>
        %dma_start3A_213 = tpu.memref_squeeze %dma_start3A_212 : memref<1x80x128xf32, #tpu.memory_space<vmem>> -> memref<80x128xf32, #tpu.memory_space<vmem>>
        %dma_start3A_214 = arith.constant 0 : i32
        %dma_start3A_215 = tpu.memref_slice %arg5[%add3A_208, %dma_start3A_214] : memref<65x80xi32, #tpu.memory_space<vmem>> -> memref<1x80xi32, #tpu.memory_space<vmem>>
        %dma_start3A_216 = tpu.memref_squeeze %dma_start3A_215 : memref<1x80xi32, #tpu.memory_space<vmem>> -> memref<80xi32, #tpu.memory_space<vmem>>
        %dma_start3A_217 = arith.constant 0 : i32
        %dma_start3A_218 = arith.constant 0 : i32
        %dma_start3A_219 = tpu.memref_slice %arg7[%dma_start3A_217, %dma_start3A_218] : memref<64x128xf32, #tpu.memory_space<vmem_shared>> -> memref<64x128xf32, #tpu.memory_space<vmem_shared>>
        tpu.enqueue_indirect_dma source(%dma_start3A_213 : memref<80x128xf32, #tpu.memory_space<vmem>>) target(%dma_start3A_219 : memref<64x128xf32, #tpu.memory_space<vmem_shared>>) offsets(%dma_start3A_216 : memref<80xi32, #tpu.memory_space<vmem>>) semaphore(%arg10 : memref<!tpu.dma_semaphore, #tpu.memory_space<semaphore_mem>>) {add = true}
        %mul3A_220 = arith.constant 5 : i32
        %mul3A_221 = arith.muli %scan3A_128, %mul3A_220 : i32
        %add3A_222 = arith.constant 4 : i32
        %add3A_223 = arith.addi %mul3A_221, %add3A_222 : i32
        %dma_start3A_224 = arith.constant 0 : i32
        %dma_start3A_225 = arith.constant 320 : i32
        %dma_start3A_226 = arith.constant 0 : i32
        %dma_start3A_227 = tpu.memref_slice %arg6[%dma_start3A_224, %dma_start3A_225, %dma_start3A_226] : memref<2x400x128xf32, #tpu.memory_space<vmem>> -> memref<1x80x128xf32, #tpu.memory_space<vmem>>
        %dma_start3A_228 = tpu.memref_squeeze %dma_start3A_227 : memref<1x80x128xf32, #tpu.memory_space<vmem>> -> memref<80x128xf32, #tpu.memory_space<vmem>>
        %dma_start3A_229 = arith.constant 0 : i32
        %dma_start3A_230 = tpu.memref_slice %arg5[%add3A_223, %dma_start3A_229] : memref<65x80xi32, #tpu.memory_space<vmem>> -> memref<1x80xi32, #tpu.memory_space<vmem>>
        %dma_start3A_231 = tpu.memref_squeeze %dma_start3A_230 : memref<1x80xi32, #tpu.memory_space<vmem>> -> memref<80xi32, #tpu.memory_space<vmem>>
        %dma_start3A_232 = arith.constant 0 : i32
        %dma_start3A_233 = arith.constant 0 : i32
        %dma_start3A_234 = tpu.memref_slice %arg7[%dma_start3A_232, %dma_start3A_233] : memref<64x128xf32, #tpu.memory_space<vmem_shared>> -> memref<64x128xf32, #tpu.memory_space<vmem_shared>>
        tpu.enqueue_indirect_dma source(%dma_start3A_228 : memref<80x128xf32, #tpu.memory_space<vmem>>) target(%dma_start3A_234 : memref<64x128xf32, #tpu.memory_space<vmem_shared>>) offsets(%dma_start3A_231 : memref<80xi32, #tpu.memory_space<vmem>>) semaphore(%arg10 : memref<!tpu.dma_semaphore, #tpu.memory_space<semaphore_mem>>) {add = true}
        %ge3A = arith.constant 1 : i32
        %ge3A_235 = arith.cmpi sge, %scan3A_128, %ge3A : i32
        %convert_element_type3A_236 = arith.extui %ge3A_235 : i1 to i32
        %cond3A_237 = arith.constant 0 : i32
        %cond3A_238 = arith.cmpi ne, %convert_element_type3A_236, %cond3A_237 : i32
        scf.if %cond3A_238 {
          %sub3A = arith.constant 1 : i32
          %sub3A_239 = arith.subi %scan3A_128, %sub3A : i32
          %mul3A_240 = arith.constant 5 : i32
          %mul3A_241 = arith.muli %sub3A_239, %mul3A_240 : i32
          %add3A_242 = arith.constant 0 : i32
          %add3A_243 = arith.addi %mul3A_241, %add3A_242 : i32
          %dma_wait3A_244 = arith.constant 1 : i32
          %dma_wait3A_245 = arith.constant 0 : i32
          %dma_wait3A_246 = arith.constant 0 : i32
          %dma_wait3A_247 = tpu.memref_slice %arg6[%dma_wait3A_244, %dma_wait3A_245, %dma_wait3A_246] : memref<2x400x128xf32, #tpu.memory_space<vmem>> -> memref<1x80x128xf32, #tpu.memory_space<vmem>>
          %dma_wait3A_248 = tpu.memref_squeeze %dma_wait3A_247 : memref<1x80x128xf32, #tpu.memory_space<vmem>> -> memref<80x128xf32, #tpu.memory_space<vmem>>
          %dma_wait3A_249 = arith.constant 0 : i32
          %dma_wait3A_250 = tpu.memref_slice %arg5[%add3A_243, %dma_wait3A_249] : memref<65x80xi32, #tpu.memory_space<vmem>> -> memref<1x80xi32, #tpu.memory_space<vmem>>
          %dma_wait3A_251 = tpu.memref_squeeze %dma_wait3A_250 : memref<1x80xi32, #tpu.memory_space<vmem>> -> memref<80xi32, #tpu.memory_space<vmem>>
          %dma_wait3A_252 = arith.constant 0 : i32
          %dma_wait3A_253 = arith.constant 0 : i32
          %dma_wait3A_254 = tpu.memref_slice %arg7[%dma_wait3A_252, %dma_wait3A_253] : memref<64x128xf32, #tpu.memory_space<vmem_shared>> -> memref<64x128xf32, #tpu.memory_space<vmem_shared>>
          tpu.wait_indirect_dma semaphore(%arg11 : memref<!tpu.dma_semaphore, #tpu.memory_space<semaphore_mem>>) src(%dma_wait3A_248 : memref<80x128xf32, #tpu.memory_space<vmem>>) dst(%dma_wait3A_254 : memref<64x128xf32, #tpu.memory_space<vmem_shared>>)
          %mul3A_255 = arith.constant 5 : i32
          %mul3A_256 = arith.muli %sub3A_239, %mul3A_255 : i32
          %add3A_257 = arith.constant 1 : i32
          %add3A_258 = arith.addi %mul3A_256, %add3A_257 : i32
          %dma_wait3A_259 = arith.constant 1 : i32
          %dma_wait3A_260 = arith.constant 80 : i32
          %dma_wait3A_261 = arith.constant 0 : i32
          %dma_wait3A_262 = tpu.memref_slice %arg6[%dma_wait3A_259, %dma_wait3A_260, %dma_wait3A_261] : memref<2x400x128xf32, #tpu.memory_space<vmem>> -> memref<1x80x128xf32, #tpu.memory_space<vmem>>
          %dma_wait3A_263 = tpu.memref_squeeze %dma_wait3A_262 : memref<1x80x128xf32, #tpu.memory_space<vmem>> -> memref<80x128xf32, #tpu.memory_space<vmem>>
          %dma_wait3A_264 = arith.constant 0 : i32
          %dma_wait3A_265 = tpu.memref_slice %arg5[%add3A_258, %dma_wait3A_264] : memref<65x80xi32, #tpu.memory_space<vmem>> -> memref<1x80xi32, #tpu.memory_space<vmem>>
          %dma_wait3A_266 = tpu.memref_squeeze %dma_wait3A_265 : memref<1x80xi32, #tpu.memory_space<vmem>> -> memref<80xi32, #tpu.memory_space<vmem>>
          %dma_wait3A_267 = arith.constant 0 : i32
          %dma_wait3A_268 = arith.constant 0 : i32
          %dma_wait3A_269 = tpu.memref_slice %arg7[%dma_wait3A_267, %dma_wait3A_268] : memref<64x128xf32, #tpu.memory_space<vmem_shared>> -> memref<64x128xf32, #tpu.memory_space<vmem_shared>>
          tpu.wait_indirect_dma semaphore(%arg11 : memref<!tpu.dma_semaphore, #tpu.memory_space<semaphore_mem>>) src(%dma_wait3A_263 : memref<80x128xf32, #tpu.memory_space<vmem>>) dst(%dma_wait3A_269 : memref<64x128xf32, #tpu.memory_space<vmem_shared>>)
          %mul3A_270 = arith.constant 5 : i32
          %mul3A_271 = arith.muli %sub3A_239, %mul3A_270 : i32
          %add3A_272 = arith.constant 2 : i32
          %add3A_273 = arith.addi %mul3A_271, %add3A_272 : i32
          %dma_wait3A_274 = arith.constant 1 : i32
          %dma_wait3A_275 = arith.constant 160 : i32
          %dma_wait3A_276 = arith.constant 0 : i32
          %dma_wait3A_277 = tpu.memref_slice %arg6[%dma_wait3A_274, %dma_wait3A_275, %dma_wait3A_276] : memref<2x400x128xf32, #tpu.memory_space<vmem>> -> memref<1x80x128xf32, #tpu.memory_space<vmem>>
          %dma_wait3A_278 = tpu.memref_squeeze %dma_wait3A_277 : memref<1x80x128xf32, #tpu.memory_space<vmem>> -> memref<80x128xf32, #tpu.memory_space<vmem>>
          %dma_wait3A_279 = arith.constant 0 : i32
          %dma_wait3A_280 = tpu.memref_slice %arg5[%add3A_273, %dma_wait3A_279] : memref<65x80xi32, #tpu.memory_space<vmem>> -> memref<1x80xi32, #tpu.memory_space<vmem>>
          %dma_wait3A_281 = tpu.memref_squeeze %dma_wait3A_280 : memref<1x80xi32, #tpu.memory_space<vmem>> -> memref<80xi32, #tpu.memory_space<vmem>>
          %dma_wait3A_282 = arith.constant 0 : i32
          %dma_wait3A_283 = arith.constant 0 : i32
          %dma_wait3A_284 = tpu.memref_slice %arg7[%dma_wait3A_282, %dma_wait3A_283] : memref<64x128xf32, #tpu.memory_space<vmem_shared>> -> memref<64x128xf32, #tpu.memory_space<vmem_shared>>
          tpu.wait_indirect_dma semaphore(%arg11 : memref<!tpu.dma_semaphore, #tpu.memory_space<semaphore_mem>>) src(%dma_wait3A_278 : memref<80x128xf32, #tpu.memory_space<vmem>>) dst(%dma_wait3A_284 : memref<64x128xf32, #tpu.memory_space<vmem_shared>>)
          %mul3A_285 = arith.constant 5 : i32
          %mul3A_286 = arith.muli %sub3A_239, %mul3A_285 : i32
          %add3A_287 = arith.constant 3 : i32
          %add3A_288 = arith.addi %mul3A_286, %add3A_287 : i32
          %dma_wait3A_289 = arith.constant 1 : i32
          %dma_wait3A_290 = arith.constant 240 : i32
          %dma_wait3A_291 = arith.constant 0 : i32
          %dma_wait3A_292 = tpu.memref_slice %arg6[%dma_wait3A_289, %dma_wait3A_290, %dma_wait3A_291] : memref<2x400x128xf32, #tpu.memory_space<vmem>> -> memref<1x80x128xf32, #tpu.memory_space<vmem>>
          %dma_wait3A_293 = tpu.memref_squeeze %dma_wait3A_292 : memref<1x80x128xf32, #tpu.memory_space<vmem>> -> memref<80x128xf32, #tpu.memory_space<vmem>>
          %dma_wait3A_294 = arith.constant 0 : i32
          %dma_wait3A_295 = tpu.memref_slice %arg5[%add3A_288, %dma_wait3A_294] : memref<65x80xi32, #tpu.memory_space<vmem>> -> memref<1x80xi32, #tpu.memory_space<vmem>>
          %dma_wait3A_296 = tpu.memref_squeeze %dma_wait3A_295 : memref<1x80xi32, #tpu.memory_space<vmem>> -> memref<80xi32, #tpu.memory_space<vmem>>
          %dma_wait3A_297 = arith.constant 0 : i32
          %dma_wait3A_298 = arith.constant 0 : i32
          %dma_wait3A_299 = tpu.memref_slice %arg7[%dma_wait3A_297, %dma_wait3A_298] : memref<64x128xf32, #tpu.memory_space<vmem_shared>> -> memref<64x128xf32, #tpu.memory_space<vmem_shared>>
          tpu.wait_indirect_dma semaphore(%arg11 : memref<!tpu.dma_semaphore, #tpu.memory_space<semaphore_mem>>) src(%dma_wait3A_293 : memref<80x128xf32, #tpu.memory_space<vmem>>) dst(%dma_wait3A_299 : memref<64x128xf32, #tpu.memory_space<vmem_shared>>)
          %mul3A_300 = arith.constant 5 : i32
          %mul3A_301 = arith.muli %sub3A_239, %mul3A_300 : i32
          %add3A_302 = arith.constant 4 : i32
          %add3A_303 = arith.addi %mul3A_301, %add3A_302 : i32
          %dma_wait3A_304 = arith.constant 1 : i32
          %dma_wait3A_305 = arith.constant 320 : i32
          %dma_wait3A_306 = arith.constant 0 : i32
          %dma_wait3A_307 = tpu.memref_slice %arg6[%dma_wait3A_304, %dma_wait3A_305, %dma_wait3A_306] : memref<2x400x128xf32, #tpu.memory_space<vmem>> -> memref<1x80x128xf32, #tpu.memory_space<vmem>>
          %dma_wait3A_308 = tpu.memref_squeeze %dma_wait3A_307 : memref<1x80x128xf32, #tpu.memory_space<vmem>> -> memref<80x128xf32, #tpu.memory_space<vmem>>
          %dma_wait3A_309 = arith.constant 0 : i32
          %dma_wait3A_310 = tpu.memref_slice %arg5[%add3A_303, %dma_wait3A_309] : memref<65x80xi32, #tpu.memory_space<vmem>> -> memref<1x80xi32, #tpu.memory_space<vmem>>
          %dma_wait3A_311 = tpu.memref_squeeze %dma_wait3A_310 : memref<1x80xi32, #tpu.memory_space<vmem>> -> memref<80xi32, #tpu.memory_space<vmem>>
          %dma_wait3A_312 = arith.constant 0 : i32
          %dma_wait3A_313 = arith.constant 0 : i32
          %dma_wait3A_314 = tpu.memref_slice %arg7[%dma_wait3A_312, %dma_wait3A_313] : memref<64x128xf32, #tpu.memory_space<vmem_shared>> -> memref<64x128xf32, #tpu.memory_space<vmem_shared>>
          tpu.wait_indirect_dma semaphore(%arg11 : memref<!tpu.dma_semaphore, #tpu.memory_space<semaphore_mem>>) src(%dma_wait3A_308 : memref<80x128xf32, #tpu.memory_space<vmem>>) dst(%dma_wait3A_314 : memref<64x128xf32, #tpu.memory_space<vmem_shared>>)
          %add3A_315 = arith.constant 1 : i32
          %add3A_316 = arith.addi %scan3A_128, %add3A_315 : i32
          %lt3A = arith.constant 13 : i32
          %lt3A_317 = arith.cmpi slt, %add3A_316, %lt3A : i32
          %convert_element_type3A_318 = arith.extui %lt3A_317 : i1 to i32
          %cond3A_319 = arith.constant 0 : i32
          %cond3A_320 = arith.cmpi ne, %convert_element_type3A_318, %cond3A_319 : i32
          scf.if %cond3A_320 {
            %add3A_321 = arith.constant 1 : i32
            %add3A_322 = arith.addi %scan3A_128, %add3A_321 : i32
            %mul3A_323 = arith.constant 400 : i32
            %mul3A_324 = arith.muli %add3A_322, %mul3A_323 : i32
            %add3A_325 = arith.addi %add3A_4, %mul3A_324 : i32
            %dma_start3A_326 = arith.constant 1 : i32
            %dma_start3A_327 = arith.constant 0 : i32
            %dma_start3A_328 = arith.constant 0 : i32
            %dma_start3A_329 = tpu.memref_slice %arg6[%dma_start3A_326, %dma_start3A_327, %dma_start3A_328] : memref<2x400x128xf32, #tpu.memory_space<vmem>> -> memref<1x400x128xf32, #tpu.memory_space<vmem>>
            %dma_start3A_330 = tpu.memref_squeeze %dma_start3A_329 : memref<1x400x128xf32, #tpu.memory_space<vmem>> -> memref<400x128xf32, #tpu.memory_space<vmem>>
            %dma_start3A_331 = arith.constant 0 : i32
            %dma_start3A_332 = tpu.memref_slice %arg2[%add3A_325, %dma_start3A_331] : memref<320000x128xf32, #tpu.memory_space<hbm>> -> memref<400x128xf32, #tpu.memory_space<hbm>>
            %dma_start3A_333 = arith.constant 0 : i32
            %dma_start3A_334 = arith.constant 0 : i32
            %dma_start3A_335 = tpu.memref_slice %arg6[%dma_start3A_326, %dma_start3A_333, %dma_start3A_334] : memref<2x400x128xf32, #tpu.memory_space<vmem>> -> memref<1x400x128xf32, #tpu.memory_space<vmem>>
            %dma_start3A_336 = tpu.memref_squeeze %dma_start3A_335 : memref<1x400x128xf32, #tpu.memory_space<vmem>> -> memref<400x128xf32, #tpu.memory_space<vmem>>
            %dma_start3A_337 = arith.constant 0 : i32
            %dma_start3A_338 = tpu.memref_slice %arg2[%add3A_325, %dma_start3A_337] : memref<320000x128xf32, #tpu.memory_space<hbm>> -> memref<400x128xf32, #tpu.memory_space<hbm>>
            tpu.enqueue_dma source(%dma_start3A_338 : memref<400x128xf32, #tpu.memory_space<hbm>>) target(%dma_start3A_336 : memref<400x128xf32, #tpu.memory_space<vmem>>) target_semaphore(%arg9 : memref<!tpu.dma_semaphore, #tpu.memory_space<semaphore_mem>>)
          } else {
          }
        } else {
        }
      } else {
      }
      %rem3A_136 = arith.constant 2 : i32
      %rem3A_137 = arith.remsi %scan3A_128, %rem3A_136 : i32
      %eq3A_138 = arith.constant 1 : i32
      %eq3A_139 = arith.cmpi eq, %rem3A_137, %eq3A_138 : i32
      %convert_element_type3A_140 = arith.extui %eq3A_139 : i1 to i32
      %cond3A_141 = arith.constant 0 : i32
      %cond3A_142 = arith.cmpi ne, %convert_element_type3A_140, %cond3A_141 : i32
      scf.if %cond3A_142 {
        %mul3A_144 = arith.constant 400 : i32
        %mul3A_145 = arith.muli %scan3A_128, %mul3A_144 : i32
        %add3A_146 = arith.addi %add3A_4, %mul3A_145 : i32
        %dma_wait3A_147 = arith.constant 1 : i32
        %dma_wait3A_148 = arith.constant 0 : i32
        %dma_wait3A_149 = arith.constant 0 : i32
        %dma_wait3A_150 = tpu.memref_slice %arg6[%dma_wait3A_147, %dma_wait3A_148, %dma_wait3A_149] : memref<2x400x128xf32, #tpu.memory_space<vmem>> -> memref<1x400x128xf32, #tpu.memory_space<vmem>>
        %dma_wait3A_151 = tpu.memref_squeeze %dma_wait3A_150 : memref<1x400x128xf32, #tpu.memory_space<vmem>> -> memref<400x128xf32, #tpu.memory_space<vmem>>
        %dma_wait3A_152 = arith.constant 0 : i32
        %dma_wait3A_153 = tpu.memref_slice %arg2[%add3A_146, %dma_wait3A_152] : memref<320000x128xf32, #tpu.memory_space<hbm>> -> memref<400x128xf32, #tpu.memory_space<hbm>>
        %dma_wait3A_154 = arith.constant 0 : i32
        %dma_wait3A_155 = arith.constant 0 : i32
        %dma_wait3A_156 = tpu.memref_slice %arg6[%dma_wait3A_147, %dma_wait3A_154, %dma_wait3A_155] : memref<2x400x128xf32, #tpu.memory_space<vmem>> -> memref<1x400x128xf32, #tpu.memory_space<vmem>>
        %dma_wait3A_157 = tpu.memref_squeeze %dma_wait3A_156 : memref<1x400x128xf32, #tpu.memory_space<vmem>> -> memref<400x128xf32, #tpu.memory_space<vmem>>
        %dma_wait3A_158 = arith.constant 0 : i32
        %dma_wait3A_159 = tpu.memref_slice %arg2[%add3A_146, %dma_wait3A_158] : memref<320000x128xf32, #tpu.memory_space<hbm>> -> memref<400x128xf32, #tpu.memory_space<hbm>>
        tpu.wait_dma2 semaphore(%arg9 : memref<!tpu.dma_semaphore, #tpu.memory_space<semaphore_mem>>) src(%dma_wait3A_159 : memref<400x128xf32, #tpu.memory_space<hbm>>) dst(%dma_wait3A_157 : memref<400x128xf32, #tpu.memory_space<vmem>>)
        %mul3A_160 = arith.constant 5 : i32
        %mul3A_161 = arith.muli %scan3A_128, %mul3A_160 : i32
        %add3A_162 = arith.constant 0 : i32
        %add3A_163 = arith.addi %mul3A_161, %add3A_162 : i32
        %dma_start3A_164 = arith.constant 1 : i32
        %dma_start3A_165 = arith.constant 0 : i32
        %dma_start3A_166 = arith.constant 0 : i32
        %dma_start3A_167 = tpu.memref_slice %arg6[%dma_start3A_164, %dma_start3A_165, %dma_start3A_166] : memref<2x400x128xf32, #tpu.memory_space<vmem>> -> memref<1x80x128xf32, #tpu.memory_space<vmem>>
        %dma_start3A_168 = tpu.memref_squeeze %dma_start3A_167 : memref<1x80x128xf32, #tpu.memory_space<vmem>> -> memref<80x128xf32, #tpu.memory_space<vmem>>
        %dma_start3A_169 = arith.constant 0 : i32
        %dma_start3A_170 = tpu.memref_slice %arg5[%add3A_163, %dma_start3A_169] : memref<65x80xi32, #tpu.memory_space<vmem>> -> memref<1x80xi32, #tpu.memory_space<vmem>>
        %dma_start3A_171 = tpu.memref_squeeze %dma_start3A_170 : memref<1x80xi32, #tpu.memory_space<vmem>> -> memref<80xi32, #tpu.memory_space<vmem>>
        %dma_start3A_172 = arith.constant 0 : i32
        %dma_start3A_173 = arith.constant 0 : i32
        %dma_start3A_174 = tpu.memref_slice %arg7[%dma_start3A_172, %dma_start3A_173] : memref<64x128xf32, #tpu.memory_space<vmem_shared>> -> memref<64x128xf32, #tpu.memory_space<vmem_shared>>
        tpu.enqueue_indirect_dma source(%dma_start3A_168 : memref<80x128xf32, #tpu.memory_space<vmem>>) target(%dma_start3A_174 : memref<64x128xf32, #tpu.memory_space<vmem_shared>>) offsets(%dma_start3A_171 : memref<80xi32, #tpu.memory_space<vmem>>) semaphore(%arg11 : memref<!tpu.dma_semaphore, #tpu.memory_space<semaphore_mem>>) {add = true}
        %mul3A_175 = arith.constant 5 : i32
        %mul3A_176 = arith.muli %scan3A_128, %mul3A_175 : i32
        %add3A_177 = arith.constant 1 : i32
        %add3A_178 = arith.addi %mul3A_176, %add3A_177 : i32
        %dma_start3A_179 = arith.constant 1 : i32
        %dma_start3A_180 = arith.constant 80 : i32
        %dma_start3A_181 = arith.constant 0 : i32
        %dma_start3A_182 = tpu.memref_slice %arg6[%dma_start3A_179, %dma_start3A_180, %dma_start3A_181] : memref<2x400x128xf32, #tpu.memory_space<vmem>> -> memref<1x80x128xf32, #tpu.memory_space<vmem>>
        %dma_start3A_183 = tpu.memref_squeeze %dma_start3A_182 : memref<1x80x128xf32, #tpu.memory_space<vmem>> -> memref<80x128xf32, #tpu.memory_space<vmem>>
        %dma_start3A_184 = arith.constant 0 : i32
        %dma_start3A_185 = tpu.memref_slice %arg5[%add3A_178, %dma_start3A_184] : memref<65x80xi32, #tpu.memory_space<vmem>> -> memref<1x80xi32, #tpu.memory_space<vmem>>
        %dma_start3A_186 = tpu.memref_squeeze %dma_start3A_185 : memref<1x80xi32, #tpu.memory_space<vmem>> -> memref<80xi32, #tpu.memory_space<vmem>>
        %dma_start3A_187 = arith.constant 0 : i32
        %dma_start3A_188 = arith.constant 0 : i32
        %dma_start3A_189 = tpu.memref_slice %arg7[%dma_start3A_187, %dma_start3A_188] : memref<64x128xf32, #tpu.memory_space<vmem_shared>> -> memref<64x128xf32, #tpu.memory_space<vmem_shared>>
        tpu.enqueue_indirect_dma source(%dma_start3A_183 : memref<80x128xf32, #tpu.memory_space<vmem>>) target(%dma_start3A_189 : memref<64x128xf32, #tpu.memory_space<vmem_shared>>) offsets(%dma_start3A_186 : memref<80xi32, #tpu.memory_space<vmem>>) semaphore(%arg11 : memref<!tpu.dma_semaphore, #tpu.memory_space<semaphore_mem>>) {add = true}
        %mul3A_190 = arith.constant 5 : i32
        %mul3A_191 = arith.muli %scan3A_128, %mul3A_190 : i32
        %add3A_192 = arith.constant 2 : i32
        %add3A_193 = arith.addi %mul3A_191, %add3A_192 : i32
        %dma_start3A_194 = arith.constant 1 : i32
        %dma_start3A_195 = arith.constant 160 : i32
        %dma_start3A_196 = arith.constant 0 : i32
        %dma_start3A_197 = tpu.memref_slice %arg6[%dma_start3A_194, %dma_start3A_195, %dma_start3A_196] : memref<2x400x128xf32, #tpu.memory_space<vmem>> -> memref<1x80x128xf32, #tpu.memory_space<vmem>>
        %dma_start3A_198 = tpu.memref_squeeze %dma_start3A_197 : memref<1x80x128xf32, #tpu.memory_space<vmem>> -> memref<80x128xf32, #tpu.memory_space<vmem>>
        %dma_start3A_199 = arith.constant 0 : i32
        %dma_start3A_200 = tpu.memref_slice %arg5[%add3A_193, %dma_start3A_199] : memref<65x80xi32, #tpu.memory_space<vmem>> -> memref<1x80xi32, #tpu.memory_space<vmem>>
        %dma_start3A_201 = tpu.memref_squeeze %dma_start3A_200 : memref<1x80xi32, #tpu.memory_space<vmem>> -> memref<80xi32, #tpu.memory_space<vmem>>
        %dma_start3A_202 = arith.constant 0 : i32
        %dma_start3A_203 = arith.constant 0 : i32
        %dma_start3A_204 = tpu.memref_slice %arg7[%dma_start3A_202, %dma_start3A_203] : memref<64x128xf32, #tpu.memory_space<vmem_shared>> -> memref<64x128xf32, #tpu.memory_space<vmem_shared>>
        tpu.enqueue_indirect_dma source(%dma_start3A_198 : memref<80x128xf32, #tpu.memory_space<vmem>>) target(%dma_start3A_204 : memref<64x128xf32, #tpu.memory_space<vmem_shared>>) offsets(%dma_start3A_201 : memref<80xi32, #tpu.memory_space<vmem>>) semaphore(%arg11 : memref<!tpu.dma_semaphore, #tpu.memory_space<semaphore_mem>>) {add = true}
        %mul3A_205 = arith.constant 5 : i32
        %mul3A_206 = arith.muli %scan3A_128, %mul3A_205 : i32
        %add3A_207 = arith.constant 3 : i32
        %add3A_208 = arith.addi %mul3A_206, %add3A_207 : i32
        %dma_start3A_209 = arith.constant 1 : i32
        %dma_start3A_210 = arith.constant 240 : i32
        %dma_start3A_211 = arith.constant 0 : i32
        %dma_start3A_212 = tpu.memref_slice %arg6[%dma_start3A_209, %dma_start3A_210, %dma_start3A_211] : memref<2x400x128xf32, #tpu.memory_space<vmem>> -> memref<1x80x128xf32, #tpu.memory_space<vmem>>
        %dma_start3A_213 = tpu.memref_squeeze %dma_start3A_212 : memref<1x80x128xf32, #tpu.memory_space<vmem>> -> memref<80x128xf32, #tpu.memory_space<vmem>>
        %dma_start3A_214 = arith.constant 0 : i32
        %dma_start3A_215 = tpu.memref_slice %arg5[%add3A_208, %dma_start3A_214] : memref<65x80xi32, #tpu.memory_space<vmem>> -> memref<1x80xi32, #tpu.memory_space<vmem>>
        %dma_start3A_216 = tpu.memref_squeeze %dma_start3A_215 : memref<1x80xi32, #tpu.memory_space<vmem>> -> memref<80xi32, #tpu.memory_space<vmem>>
        %dma_start3A_217 = arith.constant 0 : i32
        %dma_start3A_218 = arith.constant 0 : i32
        %dma_start3A_219 = tpu.memref_slice %arg7[%dma_start3A_217, %dma_start3A_218] : memref<64x128xf32, #tpu.memory_space<vmem_shared>> -> memref<64x128xf32, #tpu.memory_space<vmem_shared>>
        tpu.enqueue_indirect_dma source(%dma_start3A_213 : memref<80x128xf32, #tpu.memory_space<vmem>>) target(%dma_start3A_219 : memref<64x128xf32, #tpu.memory_space<vmem_shared>>) offsets(%dma_start3A_216 : memref<80xi32, #tpu.memory_space<vmem>>) semaphore(%arg11 : memref<!tpu.dma_semaphore, #tpu.memory_space<semaphore_mem>>) {add = true}
        %mul3A_220 = arith.constant 5 : i32
        %mul3A_221 = arith.muli %scan3A_128, %mul3A_220 : i32
        %add3A_222 = arith.constant 4 : i32
        %add3A_223 = arith.addi %mul3A_221, %add3A_222 : i32
        %dma_start3A_224 = arith.constant 1 : i32
        %dma_start3A_225 = arith.constant 320 : i32
        %dma_start3A_226 = arith.constant 0 : i32
        %dma_start3A_227 = tpu.memref_slice %arg6[%dma_start3A_224, %dma_start3A_225, %dma_start3A_226] : memref<2x400x128xf32, #tpu.memory_space<vmem>> -> memref<1x80x128xf32, #tpu.memory_space<vmem>>
        %dma_start3A_228 = tpu.memref_squeeze %dma_start3A_227 : memref<1x80x128xf32, #tpu.memory_space<vmem>> -> memref<80x128xf32, #tpu.memory_space<vmem>>
        %dma_start3A_229 = arith.constant 0 : i32
        %dma_start3A_230 = tpu.memref_slice %arg5[%add3A_223, %dma_start3A_229] : memref<65x80xi32, #tpu.memory_space<vmem>> -> memref<1x80xi32, #tpu.memory_space<vmem>>
        %dma_start3A_231 = tpu.memref_squeeze %dma_start3A_230 : memref<1x80xi32, #tpu.memory_space<vmem>> -> memref<80xi32, #tpu.memory_space<vmem>>
        %dma_start3A_232 = arith.constant 0 : i32
        %dma_start3A_233 = arith.constant 0 : i32
        %dma_start3A_234 = tpu.memref_slice %arg7[%dma_start3A_232, %dma_start3A_233] : memref<64x128xf32, #tpu.memory_space<vmem_shared>> -> memref<64x128xf32, #tpu.memory_space<vmem_shared>>
        tpu.enqueue_indirect_dma source(%dma_start3A_228 : memref<80x128xf32, #tpu.memory_space<vmem>>) target(%dma_start3A_234 : memref<64x128xf32, #tpu.memory_space<vmem_shared>>) offsets(%dma_start3A_231 : memref<80xi32, #tpu.memory_space<vmem>>) semaphore(%arg11 : memref<!tpu.dma_semaphore, #tpu.memory_space<semaphore_mem>>) {add = true}
        %ge3A = arith.constant 1 : i32
        %ge3A_235 = arith.cmpi sge, %scan3A_128, %ge3A : i32
        %convert_element_type3A_236 = arith.extui %ge3A_235 : i1 to i32
        %cond3A_237 = arith.constant 0 : i32
        %cond3A_238 = arith.cmpi ne, %convert_element_type3A_236, %cond3A_237 : i32
        scf.if %cond3A_238 {
          %sub3A = arith.constant 1 : i32
          %sub3A_239 = arith.subi %scan3A_128, %sub3A : i32
          %mul3A_240 = arith.constant 5 : i32
          %mul3A_241 = arith.muli %sub3A_239, %mul3A_240 : i32
          %add3A_242 = arith.constant 0 : i32
          %add3A_243 = arith.addi %mul3A_241, %add3A_242 : i32
          %dma_wait3A_244 = arith.constant 0 : i32
          %dma_wait3A_245 = arith.constant 0 : i32
          %dma_wait3A_246 = arith.constant 0 : i32
          %dma_wait3A_247 = tpu.memref_slice %arg6[%dma_wait3A_244, %dma_wait3A_245, %dma_wait3A_246] : memref<2x400x128xf32, #tpu.memory_space<vmem>> -> memref<1x80x128xf32, #tpu.memory_space<vmem>>
          %dma_wait3A_248 = tpu.memref_squeeze %dma_wait3A_247 : memref<1x80x128xf32, #tpu.memory_space<vmem>> -> memref<80x128xf32, #tpu.memory_space<vmem>>
          %dma_wait3A_249 = arith.constant 0 : i32
          %dma_wait3A_250 = tpu.memref_slice %arg5[%add3A_243, %dma_wait3A_249] : memref<65x80xi32, #tpu.memory_space<vmem>> -> memref<1x80xi32, #tpu.memory_space<vmem>>
          %dma_wait3A_251 = tpu.memref_squeeze %dma_wait3A_250 : memref<1x80xi32, #tpu.memory_space<vmem>> -> memref<80xi32, #tpu.memory_space<vmem>>
          %dma_wait3A_252 = arith.constant 0 : i32
          %dma_wait3A_253 = arith.constant 0 : i32
          %dma_wait3A_254 = tpu.memref_slice %arg7[%dma_wait3A_252, %dma_wait3A_253] : memref<64x128xf32, #tpu.memory_space<vmem_shared>> -> memref<64x128xf32, #tpu.memory_space<vmem_shared>>
          tpu.wait_indirect_dma semaphore(%arg10 : memref<!tpu.dma_semaphore, #tpu.memory_space<semaphore_mem>>) src(%dma_wait3A_248 : memref<80x128xf32, #tpu.memory_space<vmem>>) dst(%dma_wait3A_254 : memref<64x128xf32, #tpu.memory_space<vmem_shared>>)
          %mul3A_255 = arith.constant 5 : i32
          %mul3A_256 = arith.muli %sub3A_239, %mul3A_255 : i32
          %add3A_257 = arith.constant 1 : i32
          %add3A_258 = arith.addi %mul3A_256, %add3A_257 : i32
          %dma_wait3A_259 = arith.constant 0 : i32
          %dma_wait3A_260 = arith.constant 80 : i32
          %dma_wait3A_261 = arith.constant 0 : i32
          %dma_wait3A_262 = tpu.memref_slice %arg6[%dma_wait3A_259, %dma_wait3A_260, %dma_wait3A_261] : memref<2x400x128xf32, #tpu.memory_space<vmem>> -> memref<1x80x128xf32, #tpu.memory_space<vmem>>
          %dma_wait3A_263 = tpu.memref_squeeze %dma_wait3A_262 : memref<1x80x128xf32, #tpu.memory_space<vmem>> -> memref<80x128xf32, #tpu.memory_space<vmem>>
          %dma_wait3A_264 = arith.constant 0 : i32
          %dma_wait3A_265 = tpu.memref_slice %arg5[%add3A_258, %dma_wait3A_264] : memref<65x80xi32, #tpu.memory_space<vmem>> -> memref<1x80xi32, #tpu.memory_space<vmem>>
          %dma_wait3A_266 = tpu.memref_squeeze %dma_wait3A_265 : memref<1x80xi32, #tpu.memory_space<vmem>> -> memref<80xi32, #tpu.memory_space<vmem>>
          %dma_wait3A_267 = arith.constant 0 : i32
          %dma_wait3A_268 = arith.constant 0 : i32
          %dma_wait3A_269 = tpu.memref_slice %arg7[%dma_wait3A_267, %dma_wait3A_268] : memref<64x128xf32, #tpu.memory_space<vmem_shared>> -> memref<64x128xf32, #tpu.memory_space<vmem_shared>>
          tpu.wait_indirect_dma semaphore(%arg10 : memref<!tpu.dma_semaphore, #tpu.memory_space<semaphore_mem>>) src(%dma_wait3A_263 : memref<80x128xf32, #tpu.memory_space<vmem>>) dst(%dma_wait3A_269 : memref<64x128xf32, #tpu.memory_space<vmem_shared>>)
          %mul3A_270 = arith.constant 5 : i32
          %mul3A_271 = arith.muli %sub3A_239, %mul3A_270 : i32
          %add3A_272 = arith.constant 2 : i32
          %add3A_273 = arith.addi %mul3A_271, %add3A_272 : i32
          %dma_wait3A_274 = arith.constant 0 : i32
          %dma_wait3A_275 = arith.constant 160 : i32
          %dma_wait3A_276 = arith.constant 0 : i32
          %dma_wait3A_277 = tpu.memref_slice %arg6[%dma_wait3A_274, %dma_wait3A_275, %dma_wait3A_276] : memref<2x400x128xf32, #tpu.memory_space<vmem>> -> memref<1x80x128xf32, #tpu.memory_space<vmem>>
          %dma_wait3A_278 = tpu.memref_squeeze %dma_wait3A_277 : memref<1x80x128xf32, #tpu.memory_space<vmem>> -> memref<80x128xf32, #tpu.memory_space<vmem>>
          %dma_wait3A_279 = arith.constant 0 : i32
          %dma_wait3A_280 = tpu.memref_slice %arg5[%add3A_273, %dma_wait3A_279] : memref<65x80xi32, #tpu.memory_space<vmem>> -> memref<1x80xi32, #tpu.memory_space<vmem>>
          %dma_wait3A_281 = tpu.memref_squeeze %dma_wait3A_280 : memref<1x80xi32, #tpu.memory_space<vmem>> -> memref<80xi32, #tpu.memory_space<vmem>>
          %dma_wait3A_282 = arith.constant 0 : i32
          %dma_wait3A_283 = arith.constant 0 : i32
          %dma_wait3A_284 = tpu.memref_slice %arg7[%dma_wait3A_282, %dma_wait3A_283] : memref<64x128xf32, #tpu.memory_space<vmem_shared>> -> memref<64x128xf32, #tpu.memory_space<vmem_shared>>
          tpu.wait_indirect_dma semaphore(%arg10 : memref<!tpu.dma_semaphore, #tpu.memory_space<semaphore_mem>>) src(%dma_wait3A_278 : memref<80x128xf32, #tpu.memory_space<vmem>>) dst(%dma_wait3A_284 : memref<64x128xf32, #tpu.memory_space<vmem_shared>>)
          %mul3A_285 = arith.constant 5 : i32
          %mul3A_286 = arith.muli %sub3A_239, %mul3A_285 : i32
          %add3A_287 = arith.constant 3 : i32
          %add3A_288 = arith.addi %mul3A_286, %add3A_287 : i32
          %dma_wait3A_289 = arith.constant 0 : i32
          %dma_wait3A_290 = arith.constant 240 : i32
          %dma_wait3A_291 = arith.constant 0 : i32
          %dma_wait3A_292 = tpu.memref_slice %arg6[%dma_wait3A_289, %dma_wait3A_290, %dma_wait3A_291] : memref<2x400x128xf32, #tpu.memory_space<vmem>> -> memref<1x80x128xf32, #tpu.memory_space<vmem>>
          %dma_wait3A_293 = tpu.memref_squeeze %dma_wait3A_292 : memref<1x80x128xf32, #tpu.memory_space<vmem>> -> memref<80x128xf32, #tpu.memory_space<vmem>>
          %dma_wait3A_294 = arith.constant 0 : i32
          %dma_wait3A_295 = tpu.memref_slice %arg5[%add3A_288, %dma_wait3A_294] : memref<65x80xi32, #tpu.memory_space<vmem>> -> memref<1x80xi32, #tpu.memory_space<vmem>>
          %dma_wait3A_296 = tpu.memref_squeeze %dma_wait3A_295 : memref<1x80xi32, #tpu.memory_space<vmem>> -> memref<80xi32, #tpu.memory_space<vmem>>
          %dma_wait3A_297 = arith.constant 0 : i32
          %dma_wait3A_298 = arith.constant 0 : i32
          %dma_wait3A_299 = tpu.memref_slice %arg7[%dma_wait3A_297, %dma_wait3A_298] : memref<64x128xf32, #tpu.memory_space<vmem_shared>> -> memref<64x128xf32, #tpu.memory_space<vmem_shared>>
          tpu.wait_indirect_dma semaphore(%arg10 : memref<!tpu.dma_semaphore, #tpu.memory_space<semaphore_mem>>) src(%dma_wait3A_293 : memref<80x128xf32, #tpu.memory_space<vmem>>) dst(%dma_wait3A_299 : memref<64x128xf32, #tpu.memory_space<vmem_shared>>)
          %mul3A_300 = arith.constant 5 : i32
          %mul3A_301 = arith.muli %sub3A_239, %mul3A_300 : i32
          %add3A_302 = arith.constant 4 : i32
          %add3A_303 = arith.addi %mul3A_301, %add3A_302 : i32
          %dma_wait3A_304 = arith.constant 0 : i32
          %dma_wait3A_305 = arith.constant 320 : i32
          %dma_wait3A_306 = arith.constant 0 : i32
          %dma_wait3A_307 = tpu.memref_slice %arg6[%dma_wait3A_304, %dma_wait3A_305, %dma_wait3A_306] : memref<2x400x128xf32, #tpu.memory_space<vmem>> -> memref<1x80x128xf32, #tpu.memory_space<vmem>>
          %dma_wait3A_308 = tpu.memref_squeeze %dma_wait3A_307 : memref<1x80x128xf32, #tpu.memory_space<vmem>> -> memref<80x128xf32, #tpu.memory_space<vmem>>
          %dma_wait3A_309 = arith.constant 0 : i32
          %dma_wait3A_310 = tpu.memref_slice %arg5[%add3A_303, %dma_wait3A_309] : memref<65x80xi32, #tpu.memory_space<vmem>> -> memref<1x80xi32, #tpu.memory_space<vmem>>
          %dma_wait3A_311 = tpu.memref_squeeze %dma_wait3A_310 : memref<1x80xi32, #tpu.memory_space<vmem>> -> memref<80xi32, #tpu.memory_space<vmem>>
          %dma_wait3A_312 = arith.constant 0 : i32
          %dma_wait3A_313 = arith.constant 0 : i32
          %dma_wait3A_314 = tpu.memref_slice %arg7[%dma_wait3A_312, %dma_wait3A_313] : memref<64x128xf32, #tpu.memory_space<vmem_shared>> -> memref<64x128xf32, #tpu.memory_space<vmem_shared>>
          tpu.wait_indirect_dma semaphore(%arg10 : memref<!tpu.dma_semaphore, #tpu.memory_space<semaphore_mem>>) src(%dma_wait3A_308 : memref<80x128xf32, #tpu.memory_space<vmem>>) dst(%dma_wait3A_314 : memref<64x128xf32, #tpu.memory_space<vmem_shared>>)
          %add3A_315 = arith.constant 1 : i32
          %add3A_316 = arith.addi %scan3A_128, %add3A_315 : i32
          %lt3A = arith.constant 13 : i32
          %lt3A_317 = arith.cmpi slt, %add3A_316, %lt3A : i32
          %convert_element_type3A_318 = arith.extui %lt3A_317 : i1 to i32
          %cond3A_319 = arith.constant 0 : i32
          %cond3A_320 = arith.cmpi ne, %convert_element_type3A_318, %cond3A_319 : i32
          scf.if %cond3A_320 {
            %add3A_321 = arith.constant 1 : i32
            %add3A_322 = arith.addi %scan3A_128, %add3A_321 : i32
            %mul3A_323 = arith.constant 400 : i32
            %mul3A_324 = arith.muli %add3A_322, %mul3A_323 : i32
            %add3A_325 = arith.addi %add3A_4, %mul3A_324 : i32
            %dma_start3A_326 = arith.constant 0 : i32
            %dma_start3A_327 = arith.constant 0 : i32
            %dma_start3A_328 = arith.constant 0 : i32
            %dma_start3A_329 = tpu.memref_slice %arg6[%dma_start3A_326, %dma_start3A_327, %dma_start3A_328] : memref<2x400x128xf32, #tpu.memory_space<vmem>> -> memref<1x400x128xf32, #tpu.memory_space<vmem>>
            %dma_start3A_330 = tpu.memref_squeeze %dma_start3A_329 : memref<1x400x128xf32, #tpu.memory_space<vmem>> -> memref<400x128xf32, #tpu.memory_space<vmem>>
            %dma_start3A_331 = arith.constant 0 : i32
            %dma_start3A_332 = tpu.memref_slice %arg2[%add3A_325, %dma_start3A_331] : memref<320000x128xf32, #tpu.memory_space<hbm>> -> memref<400x128xf32, #tpu.memory_space<hbm>>
            %dma_start3A_333 = arith.constant 0 : i32
            %dma_start3A_334 = arith.constant 0 : i32
            %dma_start3A_335 = tpu.memref_slice %arg6[%dma_start3A_326, %dma_start3A_333, %dma_start3A_334] : memref<2x400x128xf32, #tpu.memory_space<vmem>> -> memref<1x400x128xf32, #tpu.memory_space<vmem>>
            %dma_start3A_336 = tpu.memref_squeeze %dma_start3A_335 : memref<1x400x128xf32, #tpu.memory_space<vmem>> -> memref<400x128xf32, #tpu.memory_space<vmem>>
            %dma_start3A_337 = arith.constant 0 : i32
            %dma_start3A_338 = tpu.memref_slice %arg2[%add3A_325, %dma_start3A_337] : memref<320000x128xf32, #tpu.memory_space<hbm>> -> memref<400x128xf32, #tpu.memory_space<hbm>>
            tpu.enqueue_dma source(%dma_start3A_338 : memref<400x128xf32, #tpu.memory_space<hbm>>) target(%dma_start3A_336 : memref<400x128xf32, #tpu.memory_space<vmem>>) target_semaphore(%arg8 : memref<!tpu.dma_semaphore, #tpu.memory_space<semaphore_mem>>)
          } else {
          }
        } else {
        }
      } else {
      }
      %scan3A_143 = arith.constant 0 : i32
      scf.yield %scan3A_143 : i32
    }
    %scan3A_64 = arith.constant 13 : i32
    %dma_wait3A_65 = arith.constant 0 : i32
    %dma_wait3A_66 = arith.constant 60 : i32
    %dma_wait3A_67 = arith.constant 0 : i32
    %dma_wait3A_68 = arith.constant 0 : i32
    %dma_wait3A_69 = tpu.memref_slice %arg6[%dma_wait3A_65, %dma_wait3A_67, %dma_wait3A_68] : memref<2x400x128xf32, #tpu.memory_space<vmem>> -> memref<1x80x128xf32, #tpu.memory_space<vmem>>
    %dma_wait3A_70 = tpu.memref_squeeze %dma_wait3A_69 : memref<1x80x128xf32, #tpu.memory_space<vmem>> -> memref<80x128xf32, #tpu.memory_space<vmem>>
    %dma_wait3A_71 = arith.constant 0 : i32
    %dma_wait3A_72 = tpu.memref_slice %arg5[%dma_wait3A_66, %dma_wait3A_71] : memref<65x80xi32, #tpu.memory_space<vmem>> -> memref<1x80xi32, #tpu.memory_space<vmem>>
    %dma_wait3A_73 = tpu.memref_squeeze %dma_wait3A_72 : memref<1x80xi32, #tpu.memory_space<vmem>> -> memref<80xi32, #tpu.memory_space<vmem>>
    %dma_wait3A_74 = arith.constant 0 : i32
    %dma_wait3A_75 = arith.constant 0 : i32
    %dma_wait3A_76 = tpu.memref_slice %arg7[%dma_wait3A_74, %dma_wait3A_75] : memref<64x128xf32, #tpu.memory_space<vmem_shared>> -> memref<64x128xf32, #tpu.memory_space<vmem_shared>>
    tpu.wait_indirect_dma semaphore(%arg10 : memref<!tpu.dma_semaphore, #tpu.memory_space<semaphore_mem>>) src(%dma_wait3A_70 : memref<80x128xf32, #tpu.memory_space<vmem>>) dst(%dma_wait3A_76 : memref<64x128xf32, #tpu.memory_space<vmem_shared>>)
    %dma_wait3A_77 = arith.constant 0 : i32
    %dma_wait3A_78 = arith.constant 61 : i32
    %dma_wait3A_79 = arith.constant 80 : i32
    %dma_wait3A_80 = arith.constant 0 : i32
    %dma_wait3A_81 = tpu.memref_slice %arg6[%dma_wait3A_77, %dma_wait3A_79, %dma_wait3A_80] : memref<2x400x128xf32, #tpu.memory_space<vmem>> -> memref<1x80x128xf32, #tpu.memory_space<vmem>>
    %dma_wait3A_82 = tpu.memref_squeeze %dma_wait3A_81 : memref<1x80x128xf32, #tpu.memory_space<vmem>> -> memref<80x128xf32, #tpu.memory_space<vmem>>
    %dma_wait3A_83 = arith.constant 0 : i32
    %dma_wait3A_84 = tpu.memref_slice %arg5[%dma_wait3A_78, %dma_wait3A_83] : memref<65x80xi32, #tpu.memory_space<vmem>> -> memref<1x80xi32, #tpu.memory_space<vmem>>
    %dma_wait3A_85 = tpu.memref_squeeze %dma_wait3A_84 : memref<1x80xi32, #tpu.memory_space<vmem>> -> memref<80xi32, #tpu.memory_space<vmem>>
    %dma_wait3A_86 = arith.constant 0 : i32
    %dma_wait3A_87 = arith.constant 0 : i32
    %dma_wait3A_88 = tpu.memref_slice %arg7[%dma_wait3A_86, %dma_wait3A_87] : memref<64x128xf32, #tpu.memory_space<vmem_shared>> -> memref<64x128xf32, #tpu.memory_space<vmem_shared>>
    tpu.wait_indirect_dma semaphore(%arg10 : memref<!tpu.dma_semaphore, #tpu.memory_space<semaphore_mem>>) src(%dma_wait3A_82 : memref<80x128xf32, #tpu.memory_space<vmem>>) dst(%dma_wait3A_88 : memref<64x128xf32, #tpu.memory_space<vmem_shared>>)
    %dma_wait3A_89 = arith.constant 0 : i32
    %dma_wait3A_90 = arith.constant 62 : i32
    %dma_wait3A_91 = arith.constant 160 : i32
    %dma_wait3A_92 = arith.constant 0 : i32
    %dma_wait3A_93 = tpu.memref_slice %arg6[%dma_wait3A_89, %dma_wait3A_91, %dma_wait3A_92] : memref<2x400x128xf32, #tpu.memory_space<vmem>> -> memref<1x80x128xf32, #tpu.memory_space<vmem>>
    %dma_wait3A_94 = tpu.memref_squeeze %dma_wait3A_93 : memref<1x80x128xf32, #tpu.memory_space<vmem>> -> memref<80x128xf32, #tpu.memory_space<vmem>>
    %dma_wait3A_95 = arith.constant 0 : i32
    %dma_wait3A_96 = tpu.memref_slice %arg5[%dma_wait3A_90, %dma_wait3A_95] : memref<65x80xi32, #tpu.memory_space<vmem>> -> memref<1x80xi32, #tpu.memory_space<vmem>>
    %dma_wait3A_97 = tpu.memref_squeeze %dma_wait3A_96 : memref<1x80xi32, #tpu.memory_space<vmem>> -> memref<80xi32, #tpu.memory_space<vmem>>
    %dma_wait3A_98 = arith.constant 0 : i32
    %dma_wait3A_99 = arith.constant 0 : i32
    %dma_wait3A_100 = tpu.memref_slice %arg7[%dma_wait3A_98, %dma_wait3A_99] : memref<64x128xf32, #tpu.memory_space<vmem_shared>> -> memref<64x128xf32, #tpu.memory_space<vmem_shared>>
    tpu.wait_indirect_dma semaphore(%arg10 : memref<!tpu.dma_semaphore, #tpu.memory_space<semaphore_mem>>) src(%dma_wait3A_94 : memref<80x128xf32, #tpu.memory_space<vmem>>) dst(%dma_wait3A_100 : memref<64x128xf32, #tpu.memory_space<vmem_shared>>)
    %dma_wait3A_101 = arith.constant 0 : i32
    %dma_wait3A_102 = arith.constant 63 : i32
    %dma_wait3A_103 = arith.constant 240 : i32
    %dma_wait3A_104 = arith.constant 0 : i32
    %dma_wait3A_105 = tpu.memref_slice %arg6[%dma_wait3A_101, %dma_wait3A_103, %dma_wait3A_104] : memref<2x400x128xf32, #tpu.memory_space<vmem>> -> memref<1x80x128xf32, #tpu.memory_space<vmem>>
    %dma_wait3A_106 = tpu.memref_squeeze %dma_wait3A_105 : memref<1x80x128xf32, #tpu.memory_space<vmem>> -> memref<80x128xf32, #tpu.memory_space<vmem>>
    %dma_wait3A_107 = arith.constant 0 : i32
    %dma_wait3A_108 = tpu.memref_slice %arg5[%dma_wait3A_102, %dma_wait3A_107] : memref<65x80xi32, #tpu.memory_space<vmem>> -> memref<1x80xi32, #tpu.memory_space<vmem>>
    %dma_wait3A_109 = tpu.memref_squeeze %dma_wait3A_108 : memref<1x80xi32, #tpu.memory_space<vmem>> -> memref<80xi32, #tpu.memory_space<vmem>>
    %dma_wait3A_110 = arith.constant 0 : i32
    %dma_wait3A_111 = arith.constant 0 : i32
    %dma_wait3A_112 = tpu.memref_slice %arg7[%dma_wait3A_110, %dma_wait3A_111] : memref<64x128xf32, #tpu.memory_space<vmem_shared>> -> memref<64x128xf32, #tpu.memory_space<vmem_shared>>
    tpu.wait_indirect_dma semaphore(%arg10 : memref<!tpu.dma_semaphore, #tpu.memory_space<semaphore_mem>>) src(%dma_wait3A_106 : memref<80x128xf32, #tpu.memory_space<vmem>>) dst(%dma_wait3A_112 : memref<64x128xf32, #tpu.memory_space<vmem_shared>>)
    %dma_wait3A_113 = arith.constant 0 : i32
    %dma_wait3A_114 = arith.constant 64 : i32
    %dma_wait3A_115 = arith.constant 320 : i32
    %dma_wait3A_116 = arith.constant 0 : i32
    %dma_wait3A_117 = tpu.memref_slice %arg6[%dma_wait3A_113, %dma_wait3A_115, %dma_wait3A_116] : memref<2x400x128xf32, #tpu.memory_space<vmem>> -> memref<1x80x128xf32, #tpu.memory_space<vmem>>
    %dma_wait3A_118 = tpu.memref_squeeze %dma_wait3A_117 : memref<1x80x128xf32, #tpu.memory_space<vmem>> -> memref<80x128xf32, #tpu.memory_space<vmem>>
    %dma_wait3A_119 = arith.constant 0 : i32
    %dma_wait3A_120 = tpu.memref_slice %arg5[%dma_wait3A_114, %dma_wait3A_119] : memref<65x80xi32, #tpu.memory_space<vmem>> -> memref<1x80xi32, #tpu.memory_space<vmem>>
    %dma_wait3A_121 = tpu.memref_squeeze %dma_wait3A_120 : memref<1x80xi32, #tpu.memory_space<vmem>> -> memref<80xi32, #tpu.memory_space<vmem>>
    %dma_wait3A_122 = arith.constant 0 : i32
    %dma_wait3A_123 = arith.constant 0 : i32
    %dma_wait3A_124 = tpu.memref_slice %arg7[%dma_wait3A_122, %dma_wait3A_123] : memref<64x128xf32, #tpu.memory_space<vmem_shared>> -> memref<64x128xf32, #tpu.memory_space<vmem_shared>>
    tpu.wait_indirect_dma semaphore(%arg10 : memref<!tpu.dma_semaphore, #tpu.memory_space<semaphore_mem>>) src(%dma_wait3A_118 : memref<80x128xf32, #tpu.memory_space<vmem>>) dst(%dma_wait3A_124 : memref<64x128xf32, #tpu.memory_space<vmem_shared>>)
    %barrier3A_125 = arith.constant 0 : index
    tpu.barrier barrier_id(%barrier3A_125)
    %eq3A = arith.constant 0 : i32
    %eq3A_126 = arith.cmpi eq, %arg1, %eq3A : i32
    %convert_element_type3A = arith.extui %eq3A_126 : i1 to i32
    %cond3A = arith.constant 0 : i32
    %cond3A_127 = arith.cmpi ne, %convert_element_type3A, %cond3A : i32
    scf.if %cond3A_127 {
      "tpu.region"() ({
        %run_scoped3A_128 = tpu.sem_alloc : memref<!tpu.dma_semaphore, #tpu.memory_space<semaphore_mem>>
        %dma_start3A_129 = arith.constant 0 : i32
        %dma_start3A_130 = arith.constant 0 : i32
        %dma_start3A_131 = tpu.memref_slice %arg4[%arg0, %dma_start3A_129, %dma_start3A_130] : memref<2x64x128xf32, #tpu.memory_space<hbm>> -> memref<1x64x128xf32, #tpu.memory_space<hbm>>
        %dma_start3A_132 = tpu.memref_squeeze %dma_start3A_131 : memref<1x64x128xf32, #tpu.memory_space<hbm>> -> memref<64x128xf32, #tpu.memory_space<hbm>>
        tpu.enqueue_dma source(%arg7 : memref<64x128xf32, #tpu.memory_space<vmem_shared>>) target(%dma_start3A_132 : memref<64x128xf32, #tpu.memory_space<hbm>>) target_semaphore(%run_scoped3A_128 : memref<!tpu.dma_semaphore, #tpu.memory_space<semaphore_mem>>)
        %dma_wait3A_133 = arith.constant 0 : i32
        %dma_wait3A_134 = arith.constant 0 : i32
        %dma_wait3A_135 = tpu.memref_slice %arg4[%arg0, %dma_wait3A_133, %dma_wait3A_134] : memref<2x64x128xf32, #tpu.memory_space<hbm>> -> memref<1x64x128xf32, #tpu.memory_space<hbm>>
        %dma_wait3A_136 = tpu.memref_squeeze %dma_wait3A_135 : memref<1x64x128xf32, #tpu.memory_space<hbm>> -> memref<64x128xf32, #tpu.memory_space<hbm>>
        tpu.wait_dma2 semaphore(%run_scoped3A_128 : memref<!tpu.dma_semaphore, #tpu.memory_space<semaphore_mem>>) src(%arg7 : memref<64x128xf32, #tpu.memory_space<vmem_shared>>) dst(%dma_wait3A_136 : memref<64x128xf32, #tpu.memory_space<hbm>>)
        tpu.yield
      }) : () -> ()
    } else {
    }
    return
  }
}

module attributes {stable_mosaic.version = 14 : i64} {
  func.func @body(%arg0: i32, %arg1: memref<1024x1xi32, #tpu.memory_space<vmem>>, %arg2: memref<1024x128xf32, #tpu.memory_space<vmem>>, %arg3: memref<64x128xf32, #tpu.memory_space<vmem>>) attributes {dimension_semantics = [#tpu.dimension_semantics<arbitrary>], iteration_bounds = array<i64: 150>, scalar_prefetch = 0 : i64, scratch_operands = 0 : i64, tpu.core_type = #tpu.core_type<tc>, window_params = [{transform_indices = @transform_0, window_bounds = array<i64: 1024, 1>}, {transform_indices = @transform_1, window_bounds = array<i64: 1024, 128>}, {pipeline_mode = #tpu.pipeline_mode<synchronous>, transform_indices = @transform_2, window_bounds = array<i64: 64, 128>}]} {
    %eq3A = arith.constant 0 : i32
    %eq3A_0 = arith.cmpi eq, %arg0, %eq3A : i32
    %convert_element_type3A = arith.extui %eq3A_0 : i1 to i32
    %cond3A = arith.constant 0 : i32
    %cond3A_1 = arith.cmpi ne, %convert_element_type3A, %cond3A : i32
    scf.if %cond3A_1 {
      %broadcast_in_dim3A = arith.constant 0.000000e+00 : f32
      %broadcast_in_dim3A_17 = vector.broadcast %broadcast_in_dim3A : f32 to vector<64x128xf32>
      %swap3A_18 = arith.constant 0 : index
      %swap3A_19 = arith.constant 0 : index
      %swap3A_20 = vector.load %arg3[%swap3A_18, %swap3A_19] : memref<64x128xf32, #tpu.memory_space<vmem>>, vector<64x128xf32>
      tpu.vector_store %arg3[%swap3A_18, %swap3A_19], %broadcast_in_dim3A_17 {strides = array<i32>} : memref<64x128xf32, #tpu.memory_space<vmem>>, vector<64x128xf32>,
    } else {
    }
    %get3A = arith.constant 0 : index
    %get3A_2 = arith.constant 0 : index
    %get3A_3 = vector.load %arg1[%get3A, %get3A_2] : memref<1024x1xi32, #tpu.memory_space<vmem>>, vector<1024x1xi32>
    %iota3A = tpu.iota {dimensions = array<i32: 1>} : vector<1024x64xi32>
    %eq3A_4 = vector.broadcast %get3A_3 : vector<1024x1xi32> to vector<1024x64xi32>
    %eq3A_5 = arith.cmpi eq, %eq3A_4, %iota3A : vector<1024x64xi32>
    %convert_element_type3A_6 = arith.extui %eq3A_5 : vector<1024x64xi1> to vector<1024x64xi32>
    %convert_element_type3A_7 = arith.sitofp %convert_element_type3A_6 : vector<1024x64xi32> to vector<1024x64xf32>
    %get3A_8 = arith.constant 0 : index
    %get3A_9 = arith.constant 0 : index
    %get3A_10 = vector.load %arg2[%get3A_8, %get3A_9] : memref<1024x128xf32, #tpu.memory_space<vmem>>, vector<1024x128xf32>
    %dot_general3A = arith.constant dense<0.000000e+00> : vector<64x128xf32>
    %dot_general3A_11 = tpu.matmul %convert_element_type3A_7, %get3A_10, %dot_general3A {dimension_numbers = #tpu.dot_dimension_numbers<[0], [0], [1], [1], [0, 1, 1, 1], [], []>, transpose_lhs_hint = false} : vector<1024x64xf32>, vector<1024x128xf32>, vector<64x128xf32> -> vector<64x128xf32>
    %get3A_12 = arith.constant 0 : index
    %get3A_13 = arith.constant 0 : index
    %get3A_14 = vector.load %arg3[%get3A_12, %get3A_13] : memref<64x128xf32, #tpu.memory_space<vmem>>, vector<64x128xf32>
    %add3A = arith.addf %get3A_14, %dot_general3A_11 : vector<64x128xf32>
    %swap3A = arith.constant 0 : index
    %swap3A_15 = arith.constant 0 : index
    %swap3A_16 = vector.load %arg3[%swap3A, %swap3A_15] : memref<64x128xf32, #tpu.memory_space<vmem>>, vector<64x128xf32>
    tpu.vector_store %arg3[%swap3A, %swap3A_15], %add3A {strides = array<i32>} : memref<64x128xf32, #tpu.memory_space<vmem>>, vector<64x128xf32>,
    return
  }
  func.func @transform_0(%arg0: i32) -> (i32, i32) {
    %c0_i32 = arith.constant 0 : i32
    %c0_i32_0 = arith.constant 0 : i32
    return %arg0, %c0_i32 : i32, i32
  }
  func.func @transform_1(%arg0: i32) -> (i32, i32) {
    %c0_i32 = arith.constant 0 : i32
    %c0_i32_0 = arith.constant 0 : i32
    return %arg0, %c0_i32 : i32, i32
  }
  func.func @transform_2(%arg0: i32) -> (i32, i32) {
    %c0_i32 = arith.constant 0 : i32
    %c0_i32_0 = arith.constant 0 : i32
    %c0_i32_1 = arith.constant 0 : i32
    return %c0_i32, %c0_i32_0 : i32, i32
  }
}

module attributes {stable_mosaic.version = 14 : i64} {
  func.func @body(%arg0: memref<2500x128xi32, #tpu.memory_space<vmem>>, %arg1: memref<64x128xf32, #tpu.memory_space<vmem>>) attributes {dimension_semantics = [], scalar_prefetch = 0 : i64, scratch_operands = 0 : i64, tpu.core_type = #tpu.core_type<tc>} {
    %get3A = arith.constant 0 : index
    %get3A_0 = arith.constant 0 : index
    %get3A_1 = vector.load %arg0[%get3A, %get3A_0] : memref<2500x128xi32, #tpu.memory_space<vmem>>, vector<2500x128xi32>
    %eq3A = arith.constant 0 : i32
    %eq3A_2 = vector.broadcast %eq3A : i32 to vector<2500x128xi32>
    %eq3A_3 = arith.cmpi eq, %get3A_1, %eq3A_2 : vector<2500x128xi32>
    %convert_element_type3A = arith.extui %eq3A_3 : vector<2500x128xi1> to vector<2500x128xi32>
    %convert_element_type3A_4 = arith.sitofp %convert_element_type3A : vector<2500x128xi32> to vector<2500x128xf32>
    %reduce_sum3A = vector.shape_cast %convert_element_type3A_4 : vector<2500x128xf32> to vector<1x2500x128xf32>
    %reduce_sum3A_5 = arith.constant dense<0.000000e+00> : vector<1xf32>
    %reduce_sum3A_6 = vector.multi_reduction <add>, %reduce_sum3A, %reduce_sum3A_5 [1, 2] : vector<1x2500x128xf32> to vector<1xf32>
    %reduce_sum3A_7 = vector.shape_cast %reduce_sum3A_6 : vector<1xf32> to vector<1x1x1xf32>
    %reduce_sum3A_8 = vector.extract %reduce_sum3A_7[0, 0, 0] : f32 from vector<1x1x1xf32>
    %broadcast_in_dim3A = vector.broadcast %reduce_sum3A_8 : f32 to vector<128xf32>
    %swap3A = arith.constant 0 : index
    %swap3A_9 = arith.constant 0 : index
    %swap3A_10 = vector.load %arg1[%swap3A, %swap3A_9] : memref<64x128xf32, #tpu.memory_space<vmem>>, vector<1x128xf32>
    %swap3A_11 = vector.shape_cast %swap3A_10 : vector<1x128xf32> to vector<128xf32>
    %swap3A_12 = vector.shape_cast %broadcast_in_dim3A : vector<128xf32> to vector<1x128xf32>
    tpu.vector_store %arg1[%swap3A, %swap3A_9], %swap3A_12 {strides = array<i32>} : memref<64x128xf32, #tpu.memory_space<vmem>>, vector<1x128xf32>,
    %eq3A_13 = arith.constant 1 : i32
    %eq3A_14 = vector.broadcast %eq3A_13 : i32 to vector<2500x128xi32>
    %eq3A_15 = arith.cmpi eq, %get3A_1, %eq3A_14 : vector<2500x128xi32>
    %convert_element_type3A_16 = arith.extui %eq3A_15 : vector<2500x128xi1> to vector<2500x128xi32>
    %convert_element_type3A_17 = arith.sitofp %convert_element_type3A_16 : vector<2500x128xi32> to vector<2500x128xf32>
    %reduce_sum3A_18 = vector.shape_cast %convert_element_type3A_17 : vector<2500x128xf32> to vector<1x2500x128xf32>
    %reduce_sum3A_19 = arith.constant dense<0.000000e+00> : vector<1xf32>
    %reduce_sum3A_20 = vector.multi_reduction <add>, %reduce_sum3A_18, %reduce_sum3A_19 [1, 2] : vector<1x2500x128xf32> to vector<1xf32>
    %reduce_sum3A_21 = vector.shape_cast %reduce_sum3A_20 : vector<1xf32> to vector<1x1x1xf32>
    %reduce_sum3A_22 = vector.extract %reduce_sum3A_21[0, 0, 0] : f32 from vector<1x1x1xf32>
    %broadcast_in_dim3A_23 = vector.broadcast %reduce_sum3A_22 : f32 to vector<128xf32>
    %swap3A_24 = arith.constant 1 : index
    %swap3A_25 = arith.constant 0 : index
    %swap3A_26 = vector.load %arg1[%swap3A_24, %swap3A_25] : memref<64x128xf32, #tpu.memory_space<vmem>>, vector<1x128xf32>
    %swap3A_27 = vector.shape_cast %swap3A_26 : vector<1x128xf32> to vector<128xf32>
    %swap3A_28 = vector.shape_cast %broadcast_in_dim3A_23 : vector<128xf32> to vector<1x128xf32>
    tpu.vector_store %arg1[%swap3A_24, %swap3A_25], %swap3A_28 {strides = array<i32>} : memref<64x128xf32, #tpu.memory_space<vmem>>, vector<1x128xf32>,
    %eq3A_29 = arith.constant 2 : i32
    %eq3A_30 = vector.broadcast %eq3A_29 : i32 to vector<2500x128xi32>
    %eq3A_31 = arith.cmpi eq, %get3A_1, %eq3A_30 : vector<2500x128xi32>
    %convert_element_type3A_32 = arith.extui %eq3A_31 : vector<2500x128xi1> to vector<2500x128xi32>
    %convert_element_type3A_33 = arith.sitofp %convert_element_type3A_32 : vector<2500x128xi32> to vector<2500x128xf32>
    %reduce_sum3A_34 = vector.shape_cast %convert_element_type3A_33 : vector<2500x128xf32> to vector<1x2500x128xf32>
    %reduce_sum3A_35 = arith.constant dense<0.000000e+00> : vector<1xf32>
    %reduce_sum3A_36 = vector.multi_reduction <add>, %reduce_sum3A_34, %reduce_sum3A_35 [1, 2] : vector<1x2500x128xf32> to vector<1xf32>
    %reduce_sum3A_37 = vector.shape_cast %reduce_sum3A_36 : vector<1xf32> to vector<1x1x1xf32>
    %reduce_sum3A_38 = vector.extract %reduce_sum3A_37[0, 0, 0] : f32 from vector<1x1x1xf32>
    %broadcast_in_dim3A_39 = vector.broadcast %reduce_sum3A_38 : f32 to vector<128xf32>
    %swap3A_40 = arith.constant 2 : index
    %swap3A_41 = arith.constant 0 : index
    %swap3A_42 = vector.load %arg1[%swap3A_40, %swap3A_41] : memref<64x128xf32, #tpu.memory_space<vmem>>, vector<1x128xf32>
    %swap3A_43 = vector.shape_cast %swap3A_42 : vector<1x128xf32> to vector<128xf32>
    %swap3A_44 = vector.shape_cast %broadcast_in_dim3A_39 : vector<128xf32> to vector<1x128xf32>
    tpu.vector_store %arg1[%swap3A_40, %swap3A_41], %swap3A_44 {strides = array<i32>} : memref<64x128xf32, #tpu.memory_space<vmem>>, vector<1x128xf32>,
    %eq3A_45 = arith.constant 3 : i32
    %eq3A_46 = vector.broadcast %eq3A_45 : i32 to vector<2500x128xi32>
    %eq3A_47 = arith.cmpi eq, %get3A_1, %eq3A_46 : vector<2500x128xi32>
    %convert_element_type3A_48 = arith.extui %eq3A_47 : vector<2500x128xi1> to vector<2500x128xi32>
    %convert_element_type3A_49 = arith.sitofp %convert_element_type3A_48 : vector<2500x128xi32> to vector<2500x128xf32>
    %reduce_sum3A_50 = vector.shape_cast %convert_element_type3A_49 : vector<2500x128xf32> to vector<1x2500x128xf32>
    %reduce_sum3A_51 = arith.constant dense<0.000000e+00> : vector<1xf32>
    %reduce_sum3A_52 = vector.multi_reduction <add>, %reduce_sum3A_50, %reduce_sum3A_51 [1, 2] : vector<1x2500x128xf32> to vector<1xf32>
    %reduce_sum3A_53 = vector.shape_cast %reduce_sum3A_52 : vector<1xf32> to vector<1x1x1xf32>
    %reduce_sum3A_54 = vector.extract %reduce_sum3A_53[0, 0, 0] : f32 from vector<1x1x1xf32>
    %broadcast_in_dim3A_55 = vector.broadcast %reduce_sum3A_54 : f32 to vector<128xf32>
    %swap3A_56 = arith.constant 3 : index
    %swap3A_57 = arith.constant 0 : index
    %swap3A_58 = vector.load %arg1[%swap3A_56, %swap3A_57] : memref<64x128xf32, #tpu.memory_space<vmem>>, vector<1x128xf32>
    %swap3A_59 = vector.shape_cast %swap3A_58 : vector<1x128xf32> to vector<128xf32>
    %swap3A_60 = vector.shape_cast %broadcast_in_dim3A_55 : vector<128xf32> to vector<1x128xf32>
    tpu.vector_store %arg1[%swap3A_56, %swap3A_57], %swap3A_60 {strides = array<i32>} : memref<64x128xf32, #tpu.memory_space<vmem>>, vector<1x128xf32>,
    %eq3A_61 = arith.constant 4 : i32
    %eq3A_62 = vector.broadcast %eq3A_61 : i32 to vector<2500x128xi32>
    %eq3A_63 = arith.cmpi eq, %get3A_1, %eq3A_62 : vector<2500x128xi32>
    %convert_element_type3A_64 = arith.extui %eq3A_63 : vector<2500x128xi1> to vector<2500x128xi32>
    %convert_element_type3A_65 = arith.sitofp %convert_element_type3A_64 : vector<2500x128xi32> to vector<2500x128xf32>
    %reduce_sum3A_66 = vector.shape_cast %convert_element_type3A_65 : vector<2500x128xf32> to vector<1x2500x128xf32>
    %reduce_sum3A_67 = arith.constant dense<0.000000e+00> : vector<1xf32>
    %reduce_sum3A_68 = vector.multi_reduction <add>, %reduce_sum3A_66, %reduce_sum3A_67 [1, 2] : vector<1x2500x128xf32> to vector<1xf32>
    %reduce_sum3A_69 = vector.shape_cast %reduce_sum3A_68 : vector<1xf32> to vector<1x1x1xf32>
    %reduce_sum3A_70 = vector.extract %reduce_sum3A_69[0, 0, 0] : f32 from vector<1x1x1xf32>
    %broadcast_in_dim3A_71 = vector.broadcast %reduce_sum3A_70 : f32 to vector<128xf32>
    %swap3A_72 = arith.constant 4 : index
    %swap3A_73 = arith.constant 0 : index
    %swap3A_74 = vector.load %arg1[%swap3A_72, %swap3A_73] : memref<64x128xf32, #tpu.memory_space<vmem>>, vector<1x128xf32>
    %swap3A_75 = vector.shape_cast %swap3A_74 : vector<1x128xf32> to vector<128xf32>
    %swap3A_76 = vector.shape_cast %broadcast_in_dim3A_71 : vector<128xf32> to vector<1x128xf32>
    tpu.vector_store %arg1[%swap3A_72, %swap3A_73], %swap3A_76 {strides = array<i32>} : memref<64x128xf32, #tpu.memory_space<vmem>>, vector<1x128xf32>,
    %eq3A_77 = arith.constant 5 : i32
    %eq3A_78 = vector.broadcast %eq3A_77 : i32 to vector<2500x128xi32>
    %eq3A_79 = arith.cmpi eq, %get3A_1, %eq3A_78 : vector<2500x128xi32>
    %convert_element_type3A_80 = arith.extui %eq3A_79 : vector<2500x128xi1> to vector<2500x128xi32>
    %convert_element_type3A_81 = arith.sitofp %convert_element_type3A_80 : vector<2500x128xi32> to vector<2500x128xf32>
    %reduce_sum3A_82 = vector.shape_cast %convert_element_type3A_81 : vector<2500x128xf32> to vector<1x2500x128xf32>
    %reduce_sum3A_83 = arith.constant dense<0.000000e+00> : vector<1xf32>
    %reduce_sum3A_84 = vector.multi_reduction <add>, %reduce_sum3A_82, %reduce_sum3A_83 [1, 2] : vector<1x2500x128xf32> to vector<1xf32>
    %reduce_sum3A_85 = vector.shape_cast %reduce_sum3A_84 : vector<1xf32> to vector<1x1x1xf32>
    %reduce_sum3A_86 = vector.extract %reduce_sum3A_85[0, 0, 0] : f32 from vector<1x1x1xf32>
    %broadcast_in_dim3A_87 = vector.broadcast %reduce_sum3A_86 : f32 to vector<128xf32>
    %swap3A_88 = arith.constant 5 : index
    %swap3A_89 = arith.constant 0 : index
    %swap3A_90 = vector.load %arg1[%swap3A_88, %swap3A_89] : memref<64x128xf32, #tpu.memory_space<vmem>>, vector<1x128xf32>
    %swap3A_91 = vector.shape_cast %swap3A_90 : vector<1x128xf32> to vector<128xf32>
    %swap3A_92 = vector.shape_cast %broadcast_in_dim3A_87 : vector<128xf32> to vector<1x128xf32>
    tpu.vector_store %arg1[%swap3A_88, %swap3A_89], %swap3A_92 {strides = array<i32>} : memref<64x128xf32, #tpu.memory_space<vmem>>, vector<1x128xf32>,
    %eq3A_93 = arith.constant 6 : i32
    %eq3A_94 = vector.broadcast %eq3A_93 : i32 to vector<2500x128xi32>
    %eq3A_95 = arith.cmpi eq, %get3A_1, %eq3A_94 : vector<2500x128xi32>
    %convert_element_type3A_96 = arith.extui %eq3A_95 : vector<2500x128xi1> to vector<2500x128xi32>
    %convert_element_type3A_97 = arith.sitofp %convert_element_type3A_96 : vector<2500x128xi32> to vector<2500x128xf32>
    %reduce_sum3A_98 = vector.shape_cast %convert_element_type3A_97 : vector<2500x128xf32> to vector<1x2500x128xf32>
    %reduce_sum3A_99 = arith.constant dense<0.000000e+00> : vector<1xf32>
    %reduce_sum3A_100 = vector.multi_reduction <add>, %reduce_sum3A_98, %reduce_sum3A_99 [1, 2] : vector<1x2500x128xf32> to vector<1xf32>
    %reduce_sum3A_101 = vector.shape_cast %reduce_sum3A_100 : vector<1xf32> to vector<1x1x1xf32>
    %reduce_sum3A_102 = vector.extract %reduce_sum3A_101[0, 0, 0] : f32 from vector<1x1x1xf32>
    %broadcast_in_dim3A_103 = vector.broadcast %reduce_sum3A_102 : f32 to vector<128xf32>
    %swap3A_104 = arith.constant 6 : index
    %swap3A_105 = arith.constant 0 : index
    %swap3A_106 = vector.load %arg1[%swap3A_104, %swap3A_105] : memref<64x128xf32, #tpu.memory_space<vmem>>, vector<1x128xf32>
    %swap3A_107 = vector.shape_cast %swap3A_106 : vector<1x128xf32> to vector<128xf32>
    %swap3A_108 = vector.shape_cast %broadcast_in_dim3A_103 : vector<128xf32> to vector<1x128xf32>
    tpu.vector_store %arg1[%swap3A_104, %swap3A_105], %swap3A_108 {strides = array<i32>} : memref<64x128xf32, #tpu.memory_space<vmem>>, vector<1x128xf32>,
    %eq3A_109 = arith.constant 7 : i32
    %eq3A_110 = vector.broadcast %eq3A_109 : i32 to vector<2500x128xi32>
    %eq3A_111 = arith.cmpi eq, %get3A_1, %eq3A_110 : vector<2500x128xi32>
    %convert_element_type3A_112 = arith.extui %eq3A_111 : vector<2500x128xi1> to vector<2500x128xi32>
    %convert_element_type3A_113 = arith.sitofp %convert_element_type3A_112 : vector<2500x128xi32> to vector<2500x128xf32>
    %reduce_sum3A_114 = vector.shape_cast %convert_element_type3A_113 : vector<2500x128xf32> to vector<1x2500x128xf32>
    %reduce_sum3A_115 = arith.constant dense<0.000000e+00> : vector<1xf32>
    %reduce_sum3A_116 = vector.multi_reduction <add>, %reduce_sum3A_114, %reduce_sum3A_115 [1, 2] : vector<1x2500x128xf32> to vector<1xf32>
    %reduce_sum3A_117 = vector.shape_cast %reduce_sum3A_116 : vector<1xf32> to vector<1x1x1xf32>
    %reduce_sum3A_118 = vector.extract %reduce_sum3A_117[0, 0, 0] : f32 from vector<1x1x1xf32>
    %broadcast_in_dim3A_119 = vector.broadcast %reduce_sum3A_118 : f32 to vector<128xf32>
    %swap3A_120 = arith.constant 7 : index
    %swap3A_121 = arith.constant 0 : index
    %swap3A_122 = vector.load %arg1[%swap3A_120, %swap3A_121] : memref<64x128xf32, #tpu.memory_space<vmem>>, vector<1x128xf32>
    %swap3A_123 = vector.shape_cast %swap3A_122 : vector<1x128xf32> to vector<128xf32>
    %swap3A_124 = vector.shape_cast %broadcast_in_dim3A_119 : vector<128xf32> to vector<1x128xf32>
    tpu.vector_store %arg1[%swap3A_120, %swap3A_121], %swap3A_124 {strides = array<i32>} : memref<64x128xf32, #tpu.memory_space<vmem>>, vector<1x128xf32>,
    %eq3A_125 = arith.constant 8 : i32
    %eq3A_126 = vector.broadcast %eq3A_125 : i32 to vector<2500x128xi32>
    %eq3A_127 = arith.cmpi eq, %get3A_1, %eq3A_126 : vector<2500x128xi32>
    %convert_element_type3A_128 = arith.extui %eq3A_127 : vector<2500x128xi1> to vector<2500x128xi32>
    %convert_element_type3A_129 = arith.sitofp %convert_element_type3A_128 : vector<2500x128xi32> to vector<2500x128xf32>
    %reduce_sum3A_130 = vector.shape_cast %convert_element_type3A_129 : vector<2500x128xf32> to vector<1x2500x128xf32>
    %reduce_sum3A_131 = arith.constant dense<0.000000e+00> : vector<1xf32>
    %reduce_sum3A_132 = vector.multi_reduction <add>, %reduce_sum3A_130, %reduce_sum3A_131 [1, 2] : vector<1x2500x128xf32> to vector<1xf32>
    %reduce_sum3A_133 = vector.shape_cast %reduce_sum3A_132 : vector<1xf32> to vector<1x1x1xf32>
    %reduce_sum3A_134 = vector.extract %reduce_sum3A_133[0, 0, 0] : f32 from vector<1x1x1xf32>
    %broadcast_in_dim3A_135 = vector.broadcast %reduce_sum3A_134 : f32 to vector<128xf32>
    %swap3A_136 = arith.constant 8 : index
    %swap3A_137 = arith.constant 0 : index
    %swap3A_138 = vector.load %arg1[%swap3A_136, %swap3A_137] : memref<64x128xf32, #tpu.memory_space<vmem>>, vector<1x128xf32>
    %swap3A_139 = vector.shape_cast %swap3A_138 : vector<1x128xf32> to vector<128xf32>
    %swap3A_140 = vector.shape_cast %broadcast_in_dim3A_135 : vector<128xf32> to vector<1x128xf32>
    tpu.vector_store %arg1[%swap3A_136, %swap3A_137], %swap3A_140 {strides = array<i32>} : memref<64x128xf32, #tpu.memory_space<vmem>>, vector<1x128xf32>,
    %eq3A_141 = arith.constant 9 : i32
    %eq3A_142 = vector.broadcast %eq3A_141 : i32 to vector<2500x128xi32>
    %eq3A_143 = arith.cmpi eq, %get3A_1, %eq3A_142 : vector<2500x128xi32>
    %convert_element_type3A_144 = arith.extui %eq3A_143 : vector<2500x128xi1> to vector<2500x128xi32>
    %convert_element_type3A_145 = arith.sitofp %convert_element_type3A_144 : vector<2500x128xi32> to vector<2500x128xf32>
    %reduce_sum3A_146 = vector.shape_cast %convert_element_type3A_145 : vector<2500x128xf32> to vector<1x2500x128xf32>
    %reduce_sum3A_147 = arith.constant dense<0.000000e+00> : vector<1xf32>
    %reduce_sum3A_148 = vector.multi_reduction <add>, %reduce_sum3A_146, %reduce_sum3A_147 [1, 2] : vector<1x2500x128xf32> to vector<1xf32>
    %reduce_sum3A_149 = vector.shape_cast %reduce_sum3A_148 : vector<1xf32> to vector<1x1x1xf32>
    %reduce_sum3A_150 = vector.extract %reduce_sum3A_149[0, 0, 0] : f32 from vector<1x1x1xf32>
    %broadcast_in_dim3A_151 = vector.broadcast %reduce_sum3A_150 : f32 to vector<128xf32>
    %swap3A_152 = arith.constant 9 : index
    %swap3A_153 = arith.constant 0 : index
    %swap3A_154 = vector.load %arg1[%swap3A_152, %swap3A_153] : memref<64x128xf32, #tpu.memory_space<vmem>>, vector<1x128xf32>
    %swap3A_155 = vector.shape_cast %swap3A_154 : vector<1x128xf32> to vector<128xf32>
    %swap3A_156 = vector.shape_cast %broadcast_in_dim3A_151 : vector<128xf32> to vector<1x128xf32>
    tpu.vector_store %arg1[%swap3A_152, %swap3A_153], %swap3A_156 {strides = array<i32>} : memref<64x128xf32, #tpu.memory_space<vmem>>, vector<1x128xf32>,
    %eq3A_157 = arith.constant 10 : i32
    %eq3A_158 = vector.broadcast %eq3A_157 : i32 to vector<2500x128xi32>
    %eq3A_159 = arith.cmpi eq, %get3A_1, %eq3A_158 : vector<2500x128xi32>
    %convert_element_type3A_160 = arith.extui %eq3A_159 : vector<2500x128xi1> to vector<2500x128xi32>
    %convert_element_type3A_161 = arith.sitofp %convert_element_type3A_160 : vector<2500x128xi32> to vector<2500x128xf32>
    %reduce_sum3A_162 = vector.shape_cast %convert_element_type3A_161 : vector<2500x128xf32> to vector<1x2500x128xf32>
    %reduce_sum3A_163 = arith.constant dense<0.000000e+00> : vector<1xf32>
    %reduce_sum3A_164 = vector.multi_reduction <add>, %reduce_sum3A_162, %reduce_sum3A_163 [1, 2] : vector<1x2500x128xf32> to vector<1xf32>
    %reduce_sum3A_165 = vector.shape_cast %reduce_sum3A_164 : vector<1xf32> to vector<1x1x1xf32>
    %reduce_sum3A_166 = vector.extract %reduce_sum3A_165[0, 0, 0] : f32 from vector<1x1x1xf32>
    %broadcast_in_dim3A_167 = vector.broadcast %reduce_sum3A_166 : f32 to vector<128xf32>
    %swap3A_168 = arith.constant 10 : index
    %swap3A_169 = arith.constant 0 : index
    %swap3A_170 = vector.load %arg1[%swap3A_168, %swap3A_169] : memref<64x128xf32, #tpu.memory_space<vmem>>, vector<1x128xf32>
    %swap3A_171 = vector.shape_cast %swap3A_170 : vector<1x128xf32> to vector<128xf32>
    %swap3A_172 = vector.shape_cast %broadcast_in_dim3A_167 : vector<128xf32> to vector<1x128xf32>
    tpu.vector_store %arg1[%swap3A_168, %swap3A_169], %swap3A_172 {strides = array<i32>} : memref<64x128xf32, #tpu.memory_space<vmem>>, vector<1x128xf32>,
    %eq3A_173 = arith.constant 11 : i32
    %eq3A_174 = vector.broadcast %eq3A_173 : i32 to vector<2500x128xi32>
    %eq3A_175 = arith.cmpi eq, %get3A_1, %eq3A_174 : vector<2500x128xi32>
    %convert_element_type3A_176 = arith.extui %eq3A_175 : vector<2500x128xi1> to vector<2500x128xi32>
    %convert_element_type3A_177 = arith.sitofp %convert_element_type3A_176 : vector<2500x128xi32> to vector<2500x128xf32>
    %reduce_sum3A_178 = vector.shape_cast %convert_element_type3A_177 : vector<2500x128xf32> to vector<1x2500x128xf32>
    %reduce_sum3A_179 = arith.constant dense<0.000000e+00> : vector<1xf32>
    %reduce_sum3A_180 = vector.multi_reduction <add>, %reduce_sum3A_178, %reduce_sum3A_179 [1, 2] : vector<1x2500x128xf32> to vector<1xf32>
    %reduce_sum3A_181 = vector.shape_cast %reduce_sum3A_180 : vector<1xf32> to vector<1x1x1xf32>
    %reduce_sum3A_182 = vector.extract %reduce_sum3A_181[0, 0, 0] : f32 from vector<1x1x1xf32>
    %broadcast_in_dim3A_183 = vector.broadcast %reduce_sum3A_182 : f32 to vector<128xf32>
    %swap3A_184 = arith.constant 11 : index
    %swap3A_185 = arith.constant 0 : index
    %swap3A_186 = vector.load %arg1[%swap3A_184, %swap3A_185] : memref<64x128xf32, #tpu.memory_space<vmem>>, vector<1x128xf32>
    %swap3A_187 = vector.shape_cast %swap3A_186 : vector<1x128xf32> to vector<128xf32>
    %swap3A_188 = vector.shape_cast %broadcast_in_dim3A_183 : vector<128xf32> to vector<1x128xf32>
    tpu.vector_store %arg1[%swap3A_184, %swap3A_185], %swap3A_188 {strides = array<i32>} : memref<64x128xf32, #tpu.memory_space<vmem>>, vector<1x128xf32>,
    %eq3A_189 = arith.constant 12 : i32
    %eq3A_190 = vector.broadcast %eq3A_189 : i32 to vector<2500x128xi32>
    %eq3A_191 = arith.cmpi eq, %get3A_1, %eq3A_190 : vector<2500x128xi32>
    %convert_element_type3A_192 = arith.extui %eq3A_191 : vector<2500x128xi1> to vector<2500x128xi32>
    %convert_element_type3A_193 = arith.sitofp %convert_element_type3A_192 : vector<2500x128xi32> to vector<2500x128xf32>
    %reduce_sum3A_194 = vector.shape_cast %convert_element_type3A_193 : vector<2500x128xf32> to vector<1x2500x128xf32>
    %reduce_sum3A_195 = arith.constant dense<0.000000e+00> : vector<1xf32>
    %reduce_sum3A_196 = vector.multi_reduction <add>, %reduce_sum3A_194, %reduce_sum3A_195 [1, 2] : vector<1x2500x128xf32> to vector<1xf32>
    %reduce_sum3A_197 = vector.shape_cast %reduce_sum3A_196 : vector<1xf32> to vector<1x1x1xf32>
    %reduce_sum3A_198 = vector.extract %reduce_sum3A_197[0, 0, 0] : f32 from vector<1x1x1xf32>
    %broadcast_in_dim3A_199 = vector.broadcast %reduce_sum3A_198 : f32 to vector<128xf32>
    %swap3A_200 = arith.constant 12 : index
    %swap3A_201 = arith.constant 0 : index
    %swap3A_202 = vector.load %arg1[%swap3A_200, %swap3A_201] : memref<64x128xf32, #tpu.memory_space<vmem>>, vector<1x128xf32>
    %swap3A_203 = vector.shape_cast %swap3A_202 : vector<1x128xf32> to vector<128xf32>
    %swap3A_204 = vector.shape_cast %broadcast_in_dim3A_199 : vector<128xf32> to vector<1x128xf32>
    tpu.vector_store %arg1[%swap3A_200, %swap3A_201], %swap3A_204 {strides = array<i32>} : memref<64x128xf32, #tpu.memory_space<vmem>>, vector<1x128xf32>,
    %eq3A_205 = arith.constant 13 : i32
    %eq3A_206 = vector.broadcast %eq3A_205 : i32 to vector<2500x128xi32>
    %eq3A_207 = arith.cmpi eq, %get3A_1, %eq3A_206 : vector<2500x128xi32>
    %convert_element_type3A_208 = arith.extui %eq3A_207 : vector<2500x128xi1> to vector<2500x128xi32>
    %convert_element_type3A_209 = arith.sitofp %convert_element_type3A_208 : vector<2500x128xi32> to vector<2500x128xf32>
    %reduce_sum3A_210 = vector.shape_cast %convert_element_type3A_209 : vector<2500x128xf32> to vector<1x2500x128xf32>
    %reduce_sum3A_211 = arith.constant dense<0.000000e+00> : vector<1xf32>
    %reduce_sum3A_212 = vector.multi_reduction <add>, %reduce_sum3A_210, %reduce_sum3A_211 [1, 2] : vector<1x2500x128xf32> to vector<1xf32>
    %reduce_sum3A_213 = vector.shape_cast %reduce_sum3A_212 : vector<1xf32> to vector<1x1x1xf32>
    %reduce_sum3A_214 = vector.extract %reduce_sum3A_213[0, 0, 0] : f32 from vector<1x1x1xf32>
    %broadcast_in_dim3A_215 = vector.broadcast %reduce_sum3A_214 : f32 to vector<128xf32>
    %swap3A_216 = arith.constant 13 : index
    %swap3A_217 = arith.constant 0 : index
    %swap3A_218 = vector.load %arg1[%swap3A_216, %swap3A_217] : memref<64x128xf32, #tpu.memory_space<vmem>>, vector<1x128xf32>
    %swap3A_219 = vector.shape_cast %swap3A_218 : vector<1x128xf32> to vector<128xf32>
    %swap3A_220 = vector.shape_cast %broadcast_in_dim3A_215 : vector<128xf32> to vector<1x128xf32>
    tpu.vector_store %arg1[%swap3A_216, %swap3A_217], %swap3A_220 {strides = array<i32>} : memref<64x128xf32, #tpu.memory_space<vmem>>, vector<1x128xf32>,
    %eq3A_221 = arith.constant 14 : i32
    %eq3A_222 = vector.broadcast %eq3A_221 : i32 to vector<2500x128xi32>
    %eq3A_223 = arith.cmpi eq, %get3A_1, %eq3A_222 : vector<2500x128xi32>
    %convert_element_type3A_224 = arith.extui %eq3A_223 : vector<2500x128xi1> to vector<2500x128xi32>
    %convert_element_type3A_225 = arith.sitofp %convert_element_type3A_224 : vector<2500x128xi32> to vector<2500x128xf32>
    %reduce_sum3A_226 = vector.shape_cast %convert_element_type3A_225 : vector<2500x128xf32> to vector<1x2500x128xf32>
    %reduce_sum3A_227 = arith.constant dense<0.000000e+00> : vector<1xf32>
    %reduce_sum3A_228 = vector.multi_reduction <add>, %reduce_sum3A_226, %reduce_sum3A_227 [1, 2] : vector<1x2500x128xf32> to vector<1xf32>
    %reduce_sum3A_229 = vector.shape_cast %reduce_sum3A_228 : vector<1xf32> to vector<1x1x1xf32>
    %reduce_sum3A_230 = vector.extract %reduce_sum3A_229[0, 0, 0] : f32 from vector<1x1x1xf32>
    %broadcast_in_dim3A_231 = vector.broadcast %reduce_sum3A_230 : f32 to vector<128xf32>
    %swap3A_232 = arith.constant 14 : index
    %swap3A_233 = arith.constant 0 : index
    %swap3A_234 = vector.load %arg1[%swap3A_232, %swap3A_233] : memref<64x128xf32, #tpu.memory_space<vmem>>, vector<1x128xf32>
    %swap3A_235 = vector.shape_cast %swap3A_234 : vector<1x128xf32> to vector<128xf32>
    %swap3A_236 = vector.shape_cast %broadcast_in_dim3A_231 : vector<128xf32> to vector<1x128xf32>
    tpu.vector_store %arg1[%swap3A_232, %swap3A_233], %swap3A_236 {strides = array<i32>} : memref<64x128xf32, #tpu.memory_space<vmem>>, vector<1x128xf32>,
    %eq3A_237 = arith.constant 15 : i32
    %eq3A_238 = vector.broadcast %eq3A_237 : i32 to vector<2500x128xi32>
    %eq3A_239 = arith.cmpi eq, %get3A_1, %eq3A_238 : vector<2500x128xi32>
    %convert_element_type3A_240 = arith.extui %eq3A_239 : vector<2500x128xi1> to vector<2500x128xi32>
    %convert_element_type3A_241 = arith.sitofp %convert_element_type3A_240 : vector<2500x128xi32> to vector<2500x128xf32>
    %reduce_sum3A_242 = vector.shape_cast %convert_element_type3A_241 : vector<2500x128xf32> to vector<1x2500x128xf32>
    %reduce_sum3A_243 = arith.constant dense<0.000000e+00> : vector<1xf32>
    %reduce_sum3A_244 = vector.multi_reduction <add>, %reduce_sum3A_242, %reduce_sum3A_243 [1, 2] : vector<1x2500x128xf32> to vector<1xf32>
    %reduce_sum3A_245 = vector.shape_cast %reduce_sum3A_244 : vector<1xf32> to vector<1x1x1xf32>
    %reduce_sum3A_246 = vector.extract %reduce_sum3A_245[0, 0, 0] : f32 from vector<1x1x1xf32>
    %broadcast_in_dim3A_247 = vector.broadcast %reduce_sum3A_246 : f32 to vector<128xf32>
    %swap3A_248 = arith.constant 15 : index
    %swap3A_249 = arith.constant 0 : index
    %swap3A_250 = vector.load %arg1[%swap3A_248, %swap3A_249] : memref<64x128xf32, #tpu.memory_space<vmem>>, vector<1x128xf32>
    %swap3A_251 = vector.shape_cast %swap3A_250 : vector<1x128xf32> to vector<128xf32>
    %swap3A_252 = vector.shape_cast %broadcast_in_dim3A_247 : vector<128xf32> to vector<1x128xf32>
    tpu.vector_store %arg1[%swap3A_248, %swap3A_249], %swap3A_252 {strides = array<i32>} : memref<64x128xf32, #tpu.memory_space<vmem>>, vector<1x128xf32>,
    %eq3A_253 = arith.constant 16 : i32
    %eq3A_254 = vector.broadcast %eq3A_253 : i32 to vector<2500x128xi32>
    %eq3A_255 = arith.cmpi eq, %get3A_1, %eq3A_254 : vector<2500x128xi32>
    %convert_element_type3A_256 = arith.extui %eq3A_255 : vector<2500x128xi1> to vector<2500x128xi32>
    %convert_element_type3A_257 = arith.sitofp %convert_element_type3A_256 : vector<2500x128xi32> to vector<2500x128xf32>
    %reduce_sum3A_258 = vector.shape_cast %convert_element_type3A_257 : vector<2500x128xf32> to vector<1x2500x128xf32>
    %reduce_sum3A_259 = arith.constant dense<0.000000e+00> : vector<1xf32>
    %reduce_sum3A_260 = vector.multi_reduction <add>, %reduce_sum3A_258, %reduce_sum3A_259 [1, 2] : vector<1x2500x128xf32> to vector<1xf32>
    %reduce_sum3A_261 = vector.shape_cast %reduce_sum3A_260 : vector<1xf32> to vector<1x1x1xf32>
    %reduce_sum3A_262 = vector.extract %reduce_sum3A_261[0, 0, 0] : f32 from vector<1x1x1xf32>
    %broadcast_in_dim3A_263 = vector.broadcast %reduce_sum3A_262 : f32 to vector<128xf32>
    %swap3A_264 = arith.constant 16 : index
    %swap3A_265 = arith.constant 0 : index
    %swap3A_266 = vector.load %arg1[%swap3A_264, %swap3A_265] : memref<64x128xf32, #tpu.memory_space<vmem>>, vector<1x128xf32>
    %swap3A_267 = vector.shape_cast %swap3A_266 : vector<1x128xf32> to vector<128xf32>
    %swap3A_268 = vector.shape_cast %broadcast_in_dim3A_263 : vector<128xf32> to vector<1x128xf32>
    tpu.vector_store %arg1[%swap3A_264, %swap3A_265], %swap3A_268 {strides = array<i32>} : memref<64x128xf32, #tpu.memory_space<vmem>>, vector<1x128xf32>,
    %eq3A_269 = arith.constant 17 : i32
    %eq3A_270 = vector.broadcast %eq3A_269 : i32 to vector<2500x128xi32>
    %eq3A_271 = arith.cmpi eq, %get3A_1, %eq3A_270 : vector<2500x128xi32>
    %convert_element_type3A_272 = arith.extui %eq3A_271 : vector<2500x128xi1> to vector<2500x128xi32>
    %convert_element_type3A_273 = arith.sitofp %convert_element_type3A_272 : vector<2500x128xi32> to vector<2500x128xf32>
    %reduce_sum3A_274 = vector.shape_cast %convert_element_type3A_273 : vector<2500x128xf32> to vector<1x2500x128xf32>
    %reduce_sum3A_275 = arith.constant dense<0.000000e+00> : vector<1xf32>
    %reduce_sum3A_276 = vector.multi_reduction <add>, %reduce_sum3A_274, %reduce_sum3A_275 [1, 2] : vector<1x2500x128xf32> to vector<1xf32>
    %reduce_sum3A_277 = vector.shape_cast %reduce_sum3A_276 : vector<1xf32> to vector<1x1x1xf32>
    %reduce_sum3A_278 = vector.extract %reduce_sum3A_277[0, 0, 0] : f32 from vector<1x1x1xf32>
    %broadcast_in_dim3A_279 = vector.broadcast %reduce_sum3A_278 : f32 to vector<128xf32>
    %swap3A_280 = arith.constant 17 : index
    %swap3A_281 = arith.constant 0 : index
    %swap3A_282 = vector.load %arg1[%swap3A_280, %swap3A_281] : memref<64x128xf32, #tpu.memory_space<vmem>>, vector<1x128xf32>
    %swap3A_283 = vector.shape_cast %swap3A_282 : vector<1x128xf32> to vector<128xf32>
    %swap3A_284 = vector.shape_cast %broadcast_in_dim3A_279 : vector<128xf32> to vector<1x128xf32>
    tpu.vector_store %arg1[%swap3A_280, %swap3A_281], %swap3A_284 {strides = array<i32>} : memref<64x128xf32, #tpu.memory_space<vmem>>, vector<1x128xf32>,
    %eq3A_285 = arith.constant 18 : i32
    %eq3A_286 = vector.broadcast %eq3A_285 : i32 to vector<2500x128xi32>
    %eq3A_287 = arith.cmpi eq, %get3A_1, %eq3A_286 : vector<2500x128xi32>
    %convert_element_type3A_288 = arith.extui %eq3A_287 : vector<2500x128xi1> to vector<2500x128xi32>
    %convert_element_type3A_289 = arith.sitofp %convert_element_type3A_288 : vector<2500x128xi32> to vector<2500x128xf32>
    %reduce_sum3A_290 = vector.shape_cast %convert_element_type3A_289 : vector<2500x128xf32> to vector<1x2500x128xf32>
    %reduce_sum3A_291 = arith.constant dense<0.000000e+00> : vector<1xf32>
    %reduce_sum3A_292 = vector.multi_reduction <add>, %reduce_sum3A_290, %reduce_sum3A_291 [1, 2] : vector<1x2500x128xf32> to vector<1xf32>
    %reduce_sum3A_293 = vector.shape_cast %reduce_sum3A_292 : vector<1xf32> to vector<1x1x1xf32>
    %reduce_sum3A_294 = vector.extract %reduce_sum3A_293[0, 0, 0] : f32 from vector<1x1x1xf32>
    %broadcast_in_dim3A_295 = vector.broadcast %reduce_sum3A_294 : f32 to vector<128xf32>
    %swap3A_296 = arith.constant 18 : index
    %swap3A_297 = arith.constant 0 : index
    %swap3A_298 = vector.load %arg1[%swap3A_296, %swap3A_297] : memref<64x128xf32, #tpu.memory_space<vmem>>, vector<1x128xf32>
    %swap3A_299 = vector.shape_cast %swap3A_298 : vector<1x128xf32> to vector<128xf32>
    %swap3A_300 = vector.shape_cast %broadcast_in_dim3A_295 : vector<128xf32> to vector<1x128xf32>
    tpu.vector_store %arg1[%swap3A_296, %swap3A_297], %swap3A_300 {strides = array<i32>} : memref<64x128xf32, #tpu.memory_space<vmem>>, vector<1x128xf32>,
    %eq3A_301 = arith.constant 19 : i32
    %eq3A_302 = vector.broadcast %eq3A_301 : i32 to vector<2500x128xi32>
    %eq3A_303 = arith.cmpi eq, %get3A_1, %eq3A_302 : vector<2500x128xi32>
    %convert_element_type3A_304 = arith.extui %eq3A_303 : vector<2500x128xi1> to vector<2500x128xi32>
    %convert_element_type3A_305 = arith.sitofp %convert_element_type3A_304 : vector<2500x128xi32> to vector<2500x128xf32>
    %reduce_sum3A_306 = vector.shape_cast %convert_element_type3A_305 : vector<2500x128xf32> to vector<1x2500x128xf32>
    %reduce_sum3A_307 = arith.constant dense<0.000000e+00> : vector<1xf32>
    %reduce_sum3A_308 = vector.multi_reduction <add>, %reduce_sum3A_306, %reduce_sum3A_307 [1, 2] : vector<1x2500x128xf32> to vector<1xf32>
    %reduce_sum3A_309 = vector.shape_cast %reduce_sum3A_308 : vector<1xf32> to vector<1x1x1xf32>
    %reduce_sum3A_310 = vector.extract %reduce_sum3A_309[0, 0, 0] : f32 from vector<1x1x1xf32>
    %broadcast_in_dim3A_311 = vector.broadcast %reduce_sum3A_310 : f32 to vector<128xf32>
    %swap3A_312 = arith.constant 19 : index
    %swap3A_313 = arith.constant 0 : index
    %swap3A_314 = vector.load %arg1[%swap3A_312, %swap3A_313] : memref<64x128xf32, #tpu.memory_space<vmem>>, vector<1x128xf32>
    %swap3A_315 = vector.shape_cast %swap3A_314 : vector<1x128xf32> to vector<128xf32>
    %swap3A_316 = vector.shape_cast %broadcast_in_dim3A_311 : vector<128xf32> to vector<1x128xf32>
    tpu.vector_store %arg1[%swap3A_312, %swap3A_313], %swap3A_316 {strides = array<i32>} : memref<64x128xf32, #tpu.memory_space<vmem>>, vector<1x128xf32>,
    %eq3A_317 = arith.constant 20 : i32
    %eq3A_318 = vector.broadcast %eq3A_317 : i32 to vector<2500x128xi32>
    %eq3A_319 = arith.cmpi eq, %get3A_1, %eq3A_318 : vector<2500x128xi32>
    %convert_element_type3A_320 = arith.extui %eq3A_319 : vector<2500x128xi1> to vector<2500x128xi32>
    %convert_element_type3A_321 = arith.sitofp %convert_element_type3A_320 : vector<2500x128xi32> to vector<2500x128xf32>
    %reduce_sum3A_322 = vector.shape_cast %convert_element_type3A_321 : vector<2500x128xf32> to vector<1x2500x128xf32>
    %reduce_sum3A_323 = arith.constant dense<0.000000e+00> : vector<1xf32>
    %reduce_sum3A_324 = vector.multi_reduction <add>, %reduce_sum3A_322, %reduce_sum3A_323 [1, 2] : vector<1x2500x128xf32> to vector<1xf32>
    %reduce_sum3A_325 = vector.shape_cast %reduce_sum3A_324 : vector<1xf32> to vector<1x1x1xf32>
    %reduce_sum3A_326 = vector.extract %reduce_sum3A_325[0, 0, 0] : f32 from vector<1x1x1xf32>
    %broadcast_in_dim3A_327 = vector.broadcast %reduce_sum3A_326 : f32 to vector<128xf32>
    %swap3A_328 = arith.constant 20 : index
    %swap3A_329 = arith.constant 0 : index
    %swap3A_330 = vector.load %arg1[%swap3A_328, %swap3A_329] : memref<64x128xf32, #tpu.memory_space<vmem>>, vector<1x128xf32>
    %swap3A_331 = vector.shape_cast %swap3A_330 : vector<1x128xf32> to vector<128xf32>
    %swap3A_332 = vector.shape_cast %broadcast_in_dim3A_327 : vector<128xf32> to vector<1x128xf32>
    tpu.vector_store %arg1[%swap3A_328, %swap3A_329], %swap3A_332 {strides = array<i32>} : memref<64x128xf32, #tpu.memory_space<vmem>>, vector<1x128xf32>,
    %eq3A_333 = arith.constant 21 : i32
    %eq3A_334 = vector.broadcast %eq3A_333 : i32 to vector<2500x128xi32>
    %eq3A_335 = arith.cmpi eq, %get3A_1, %eq3A_334 : vector<2500x128xi32>
    %convert_element_type3A_336 = arith.extui %eq3A_335 : vector<2500x128xi1> to vector<2500x128xi32>
    %convert_element_type3A_337 = arith.sitofp %convert_element_type3A_336 : vector<2500x128xi32> to vector<2500x128xf32>
    %reduce_sum3A_338 = vector.shape_cast %convert_element_type3A_337 : vector<2500x128xf32> to vector<1x2500x128xf32>
    %reduce_sum3A_339 = arith.constant dense<0.000000e+00> : vector<1xf32>
    %reduce_sum3A_340 = vector.multi_reduction <add>, %reduce_sum3A_338, %reduce_sum3A_339 [1, 2] : vector<1x2500x128xf32> to vector<1xf32>
    %reduce_sum3A_341 = vector.shape_cast %reduce_sum3A_340 : vector<1xf32> to vector<1x1x1xf32>
    %reduce_sum3A_342 = vector.extract %reduce_sum3A_341[0, 0, 0] : f32 from vector<1x1x1xf32>
    %broadcast_in_dim3A_343 = vector.broadcast %reduce_sum3A_342 : f32 to vector<128xf32>
    %swap3A_344 = arith.constant 21 : index
    %swap3A_345 = arith.constant 0 : index
    %swap3A_346 = vector.load %arg1[%swap3A_344, %swap3A_345] : memref<64x128xf32, #tpu.memory_space<vmem>>, vector<1x128xf32>
    %swap3A_347 = vector.shape_cast %swap3A_346 : vector<1x128xf32> to vector<128xf32>
    %swap3A_348 = vector.shape_cast %broadcast_in_dim3A_343 : vector<128xf32> to vector<1x128xf32>
    tpu.vector_store %arg1[%swap3A_344, %swap3A_345], %swap3A_348 {strides = array<i32>} : memref<64x128xf32, #tpu.memory_space<vmem>>, vector<1x128xf32>,
    %eq3A_349 = arith.constant 22 : i32
    %eq3A_350 = vector.broadcast %eq3A_349 : i32 to vector<2500x128xi32>
    %eq3A_351 = arith.cmpi eq, %get3A_1, %eq3A_350 : vector<2500x128xi32>
    %convert_element_type3A_352 = arith.extui %eq3A_351 : vector<2500x128xi1> to vector<2500x128xi32>
    %convert_element_type3A_353 = arith.sitofp %convert_element_type3A_352 : vector<2500x128xi32> to vector<2500x128xf32>
    %reduce_sum3A_354 = vector.shape_cast %convert_element_type3A_353 : vector<2500x128xf32> to vector<1x2500x128xf32>
    %reduce_sum3A_355 = arith.constant dense<0.000000e+00> : vector<1xf32>
    %reduce_sum3A_356 = vector.multi_reduction <add>, %reduce_sum3A_354, %reduce_sum3A_355 [1, 2] : vector<1x2500x128xf32> to vector<1xf32>
    %reduce_sum3A_357 = vector.shape_cast %reduce_sum3A_356 : vector<1xf32> to vector<1x1x1xf32>
    %reduce_sum3A_358 = vector.extract %reduce_sum3A_357[0, 0, 0] : f32 from vector<1x1x1xf32>
    %broadcast_in_dim3A_359 = vector.broadcast %reduce_sum3A_358 : f32 to vector<128xf32>
    %swap3A_360 = arith.constant 22 : index
    %swap3A_361 = arith.constant 0 : index
    %swap3A_362 = vector.load %arg1[%swap3A_360, %swap3A_361] : memref<64x128xf32, #tpu.memory_space<vmem>>, vector<1x128xf32>
    %swap3A_363 = vector.shape_cast %swap3A_362 : vector<1x128xf32> to vector<128xf32>
    %swap3A_364 = vector.shape_cast %broadcast_in_dim3A_359 : vector<128xf32> to vector<1x128xf32>
    tpu.vector_store %arg1[%swap3A_360, %swap3A_361], %swap3A_364 {strides = array<i32>} : memref<64x128xf32, #tpu.memory_space<vmem>>, vector<1x128xf32>,
    %eq3A_365 = arith.constant 23 : i32
    %eq3A_366 = vector.broadcast %eq3A_365 : i32 to vector<2500x128xi32>
    %eq3A_367 = arith.cmpi eq, %get3A_1, %eq3A_366 : vector<2500x128xi32>
    %convert_element_type3A_368 = arith.extui %eq3A_367 : vector<2500x128xi1> to vector<2500x128xi32>
    %convert_element_type3A_369 = arith.sitofp %convert_element_type3A_368 : vector<2500x128xi32> to vector<2500x128xf32>
    %reduce_sum3A_370 = vector.shape_cast %convert_element_type3A_369 : vector<2500x128xf32> to vector<1x2500x128xf32>
    %reduce_sum3A_371 = arith.constant dense<0.000000e+00> : vector<1xf32>
    %reduce_sum3A_372 = vector.multi_reduction <add>, %reduce_sum3A_370, %reduce_sum3A_371 [1, 2] : vector<1x2500x128xf32> to vector<1xf32>
    %reduce_sum3A_373 = vector.shape_cast %reduce_sum3A_372 : vector<1xf32> to vector<1x1x1xf32>
    %reduce_sum3A_374 = vector.extract %reduce_sum3A_373[0, 0, 0] : f32 from vector<1x1x1xf32>
    %broadcast_in_dim3A_375 = vector.broadcast %reduce_sum3A_374 : f32 to vector<128xf32>
    %swap3A_376 = arith.constant 23 : index
    %swap3A_377 = arith.constant 0 : index
    %swap3A_378 = vector.load %arg1[%swap3A_376, %swap3A_377] : memref<64x128xf32, #tpu.memory_space<vmem>>, vector<1x128xf32>
    %swap3A_379 = vector.shape_cast %swap3A_378 : vector<1x128xf32> to vector<128xf32>
    %swap3A_380 = vector.shape_cast %broadcast_in_dim3A_375 : vector<128xf32> to vector<1x128xf32>
    tpu.vector_store %arg1[%swap3A_376, %swap3A_377], %swap3A_380 {strides = array<i32>} : memref<64x128xf32, #tpu.memory_space<vmem>>, vector<1x128xf32>,
    %eq3A_381 = arith.constant 24 : i32
    %eq3A_382 = vector.broadcast %eq3A_381 : i32 to vector<2500x128xi32>
    %eq3A_383 = arith.cmpi eq, %get3A_1, %eq3A_382 : vector<2500x128xi32>
    %convert_element_type3A_384 = arith.extui %eq3A_383 : vector<2500x128xi1> to vector<2500x128xi32>
    %convert_element_type3A_385 = arith.sitofp %convert_element_type3A_384 : vector<2500x128xi32> to vector<2500x128xf32>
    %reduce_sum3A_386 = vector.shape_cast %convert_element_type3A_385 : vector<2500x128xf32> to vector<1x2500x128xf32>
    %reduce_sum3A_387 = arith.constant dense<0.000000e+00> : vector<1xf32>
    %reduce_sum3A_388 = vector.multi_reduction <add>, %reduce_sum3A_386, %reduce_sum3A_387 [1, 2] : vector<1x2500x128xf32> to vector<1xf32>
    %reduce_sum3A_389 = vector.shape_cast %reduce_sum3A_388 : vector<1xf32> to vector<1x1x1xf32>
    %reduce_sum3A_390 = vector.extract %reduce_sum3A_389[0, 0, 0] : f32 from vector<1x1x1xf32>
    %broadcast_in_dim3A_391 = vector.broadcast %reduce_sum3A_390 : f32 to vector<128xf32>
    %swap3A_392 = arith.constant 24 : index
    %swap3A_393 = arith.constant 0 : index
    %swap3A_394 = vector.load %arg1[%swap3A_392, %swap3A_393] : memref<64x128xf32, #tpu.memory_space<vmem>>, vector<1x128xf32>
    %swap3A_395 = vector.shape_cast %swap3A_394 : vector<1x128xf32> to vector<128xf32>
    %swap3A_396 = vector.shape_cast %broadcast_in_dim3A_391 : vector<128xf32> to vector<1x128xf32>
    tpu.vector_store %arg1[%swap3A_392, %swap3A_393], %swap3A_396 {strides = array<i32>} : memref<64x128xf32, #tpu.memory_space<vmem>>, vector<1x128xf32>,
    %eq3A_397 = arith.constant 25 : i32
    %eq3A_398 = vector.broadcast %eq3A_397 : i32 to vector<2500x128xi32>
    %eq3A_399 = arith.cmpi eq, %get3A_1, %eq3A_398 : vector<2500x128xi32>
    %convert_element_type3A_400 = arith.extui %eq3A_399 : vector<2500x128xi1> to vector<2500x128xi32>
    %convert_element_type3A_401 = arith.sitofp %convert_element_type3A_400 : vector<2500x128xi32> to vector<2500x128xf32>
    %reduce_sum3A_402 = vector.shape_cast %convert_element_type3A_401 : vector<2500x128xf32> to vector<1x2500x128xf32>
    %reduce_sum3A_403 = arith.constant dense<0.000000e+00> : vector<1xf32>
    %reduce_sum3A_404 = vector.multi_reduction <add>, %reduce_sum3A_402, %reduce_sum3A_403 [1, 2] : vector<1x2500x128xf32> to vector<1xf32>
    %reduce_sum3A_405 = vector.shape_cast %reduce_sum3A_404 : vector<1xf32> to vector<1x1x1xf32>
    %reduce_sum3A_406 = vector.extract %reduce_sum3A_405[0, 0, 0] : f32 from vector<1x1x1xf32>
    %broadcast_in_dim3A_407 = vector.broadcast %reduce_sum3A_406 : f32 to vector<128xf32>
    %swap3A_408 = arith.constant 25 : index
    %swap3A_409 = arith.constant 0 : index
    %swap3A_410 = vector.load %arg1[%swap3A_408, %swap3A_409] : memref<64x128xf32, #tpu.memory_space<vmem>>, vector<1x128xf32>
    %swap3A_411 = vector.shape_cast %swap3A_410 : vector<1x128xf32> to vector<128xf32>
    %swap3A_412 = vector.shape_cast %broadcast_in_dim3A_407 : vector<128xf32> to vector<1x128xf32>
    tpu.vector_store %arg1[%swap3A_408, %swap3A_409], %swap3A_412 {strides = array<i32>} : memref<64x128xf32, #tpu.memory_space<vmem>>, vector<1x128xf32>,
    %eq3A_413 = arith.constant 26 : i32
    %eq3A_414 = vector.broadcast %eq3A_413 : i32 to vector<2500x128xi32>
    %eq3A_415 = arith.cmpi eq, %get3A_1, %eq3A_414 : vector<2500x128xi32>
    %convert_element_type3A_416 = arith.extui %eq3A_415 : vector<2500x128xi1> to vector<2500x128xi32>
    %convert_element_type3A_417 = arith.sitofp %convert_element_type3A_416 : vector<2500x128xi32> to vector<2500x128xf32>
    %reduce_sum3A_418 = vector.shape_cast %convert_element_type3A_417 : vector<2500x128xf32> to vector<1x2500x128xf32>
    %reduce_sum3A_419 = arith.constant dense<0.000000e+00> : vector<1xf32>
    %reduce_sum3A_420 = vector.multi_reduction <add>, %reduce_sum3A_418, %reduce_sum3A_419 [1, 2] : vector<1x2500x128xf32> to vector<1xf32>
    %reduce_sum3A_421 = vector.shape_cast %reduce_sum3A_420 : vector<1xf32> to vector<1x1x1xf32>
    %reduce_sum3A_422 = vector.extract %reduce_sum3A_421[0, 0, 0] : f32 from vector<1x1x1xf32>
    %broadcast_in_dim3A_423 = vector.broadcast %reduce_sum3A_422 : f32 to vector<128xf32>
    %swap3A_424 = arith.constant 26 : index
    %swap3A_425 = arith.constant 0 : index
    %swap3A_426 = vector.load %arg1[%swap3A_424, %swap3A_425] : memref<64x128xf32, #tpu.memory_space<vmem>>, vector<1x128xf32>
    %swap3A_427 = vector.shape_cast %swap3A_426 : vector<1x128xf32> to vector<128xf32>
    %swap3A_428 = vector.shape_cast %broadcast_in_dim3A_423 : vector<128xf32> to vector<1x128xf32>
    tpu.vector_store %arg1[%swap3A_424, %swap3A_425], %swap3A_428 {strides = array<i32>} : memref<64x128xf32, #tpu.memory_space<vmem>>, vector<1x128xf32>,
    %eq3A_429 = arith.constant 27 : i32
    %eq3A_430 = vector.broadcast %eq3A_429 : i32 to vector<2500x128xi32>
    %eq3A_431 = arith.cmpi eq, %get3A_1, %eq3A_430 : vector<2500x128xi32>
    %convert_element_type3A_432 = arith.extui %eq3A_431 : vector<2500x128xi1> to vector<2500x128xi32>
    %convert_element_type3A_433 = arith.sitofp %convert_element_type3A_432 : vector<2500x128xi32> to vector<2500x128xf32>
    %reduce_sum3A_434 = vector.shape_cast %convert_element_type3A_433 : vector<2500x128xf32> to vector<1x2500x128xf32>
    %reduce_sum3A_435 = arith.constant dense<0.000000e+00> : vector<1xf32>
    %reduce_sum3A_436 = vector.multi_reduction <add>, %reduce_sum3A_434, %reduce_sum3A_435 [1, 2] : vector<1x2500x128xf32> to vector<1xf32>
    %reduce_sum3A_437 = vector.shape_cast %reduce_sum3A_436 : vector<1xf32> to vector<1x1x1xf32>
    %reduce_sum3A_438 = vector.extract %reduce_sum3A_437[0, 0, 0] : f32 from vector<1x1x1xf32>
    %broadcast_in_dim3A_439 = vector.broadcast %reduce_sum3A_438 : f32 to vector<128xf32>
    %swap3A_440 = arith.constant 27 : index
    %swap3A_441 = arith.constant 0 : index
    %swap3A_442 = vector.load %arg1[%swap3A_440, %swap3A_441] : memref<64x128xf32, #tpu.memory_space<vmem>>, vector<1x128xf32>
    %swap3A_443 = vector.shape_cast %swap3A_442 : vector<1x128xf32> to vector<128xf32>
    %swap3A_444 = vector.shape_cast %broadcast_in_dim3A_439 : vector<128xf32> to vector<1x128xf32>
    tpu.vector_store %arg1[%swap3A_440, %swap3A_441], %swap3A_444 {strides = array<i32>} : memref<64x128xf32, #tpu.memory_space<vmem>>, vector<1x128xf32>,
    %eq3A_445 = arith.constant 28 : i32
    %eq3A_446 = vector.broadcast %eq3A_445 : i32 to vector<2500x128xi32>
    %eq3A_447 = arith.cmpi eq, %get3A_1, %eq3A_446 : vector<2500x128xi32>
    %convert_element_type3A_448 = arith.extui %eq3A_447 : vector<2500x128xi1> to vector<2500x128xi32>
    %convert_element_type3A_449 = arith.sitofp %convert_element_type3A_448 : vector<2500x128xi32> to vector<2500x128xf32>
    %reduce_sum3A_450 = vector.shape_cast %convert_element_type3A_449 : vector<2500x128xf32> to vector<1x2500x128xf32>
    %reduce_sum3A_451 = arith.constant dense<0.000000e+00> : vector<1xf32>
    %reduce_sum3A_452 = vector.multi_reduction <add>, %reduce_sum3A_450, %reduce_sum3A_451 [1, 2] : vector<1x2500x128xf32> to vector<1xf32>
    %reduce_sum3A_453 = vector.shape_cast %reduce_sum3A_452 : vector<1xf32> to vector<1x1x1xf32>
    %reduce_sum3A_454 = vector.extract %reduce_sum3A_453[0, 0, 0] : f32 from vector<1x1x1xf32>
    %broadcast_in_dim3A_455 = vector.broadcast %reduce_sum3A_454 : f32 to vector<128xf32>
    %swap3A_456 = arith.constant 28 : index
    %swap3A_457 = arith.constant 0 : index
    %swap3A_458 = vector.load %arg1[%swap3A_456, %swap3A_457] : memref<64x128xf32, #tpu.memory_space<vmem>>, vector<1x128xf32>
    %swap3A_459 = vector.shape_cast %swap3A_458 : vector<1x128xf32> to vector<128xf32>
    %swap3A_460 = vector.shape_cast %broadcast_in_dim3A_455 : vector<128xf32> to vector<1x128xf32>
    tpu.vector_store %arg1[%swap3A_456, %swap3A_457], %swap3A_460 {strides = array<i32>} : memref<64x128xf32, #tpu.memory_space<vmem>>, vector<1x128xf32>,
    %eq3A_461 = arith.constant 29 : i32
    %eq3A_462 = vector.broadcast %eq3A_461 : i32 to vector<2500x128xi32>
    %eq3A_463 = arith.cmpi eq, %get3A_1, %eq3A_462 : vector<2500x128xi32>
    %convert_element_type3A_464 = arith.extui %eq3A_463 : vector<2500x128xi1> to vector<2500x128xi32>
    %convert_element_type3A_465 = arith.sitofp %convert_element_type3A_464 : vector<2500x128xi32> to vector<2500x128xf32>
    %reduce_sum3A_466 = vector.shape_cast %convert_element_type3A_465 : vector<2500x128xf32> to vector<1x2500x128xf32>
    %reduce_sum3A_467 = arith.constant dense<0.000000e+00> : vector<1xf32>
    %reduce_sum3A_468 = vector.multi_reduction <add>, %reduce_sum3A_466, %reduce_sum3A_467 [1, 2] : vector<1x2500x128xf32> to vector<1xf32>
    %reduce_sum3A_469 = vector.shape_cast %reduce_sum3A_468 : vector<1xf32> to vector<1x1x1xf32>
    %reduce_sum3A_470 = vector.extract %reduce_sum3A_469[0, 0, 0] : f32 from vector<1x1x1xf32>
    %broadcast_in_dim3A_471 = vector.broadcast %reduce_sum3A_470 : f32 to vector<128xf32>
    %swap3A_472 = arith.constant 29 : index
    %swap3A_473 = arith.constant 0 : index
    %swap3A_474 = vector.load %arg1[%swap3A_472, %swap3A_473] : memref<64x128xf32, #tpu.memory_space<vmem>>, vector<1x128xf32>
    %swap3A_475 = vector.shape_cast %swap3A_474 : vector<1x128xf32> to vector<128xf32>
    %swap3A_476 = vector.shape_cast %broadcast_in_dim3A_471 : vector<128xf32> to vector<1x128xf32>
    tpu.vector_store %arg1[%swap3A_472, %swap3A_473], %swap3A_476 {strides = array<i32>} : memref<64x128xf32, #tpu.memory_space<vmem>>, vector<1x128xf32>,
    %eq3A_477 = arith.constant 30 : i32
    %eq3A_478 = vector.broadcast %eq3A_477 : i32 to vector<2500x128xi32>
    %eq3A_479 = arith.cmpi eq, %get3A_1, %eq3A_478 : vector<2500x128xi32>
    %convert_element_type3A_480 = arith.extui %eq3A_479 : vector<2500x128xi1> to vector<2500x128xi32>
    %convert_element_type3A_481 = arith.sitofp %convert_element_type3A_480 : vector<2500x128xi32> to vector<2500x128xf32>
    %reduce_sum3A_482 = vector.shape_cast %convert_element_type3A_481 : vector<2500x128xf32> to vector<1x2500x128xf32>
    %reduce_sum3A_483 = arith.constant dense<0.000000e+00> : vector<1xf32>
    %reduce_sum3A_484 = vector.multi_reduction <add>, %reduce_sum3A_482, %reduce_sum3A_483 [1, 2] : vector<1x2500x128xf32> to vector<1xf32>
    %reduce_sum3A_485 = vector.shape_cast %reduce_sum3A_484 : vector<1xf32> to vector<1x1x1xf32>
    %reduce_sum3A_486 = vector.extract %reduce_sum3A_485[0, 0, 0] : f32 from vector<1x1x1xf32>
    %broadcast_in_dim3A_487 = vector.broadcast %reduce_sum3A_486 : f32 to vector<128xf32>
    %swap3A_488 = arith.constant 30 : index
    %swap3A_489 = arith.constant 0 : index
    %swap3A_490 = vector.load %arg1[%swap3A_488, %swap3A_489] : memref<64x128xf32, #tpu.memory_space<vmem>>, vector<1x128xf32>
    %swap3A_491 = vector.shape_cast %swap3A_490 : vector<1x128xf32> to vector<128xf32>
    %swap3A_492 = vector.shape_cast %broadcast_in_dim3A_487 : vector<128xf32> to vector<1x128xf32>
    tpu.vector_store %arg1[%swap3A_488, %swap3A_489], %swap3A_492 {strides = array<i32>} : memref<64x128xf32, #tpu.memory_space<vmem>>, vector<1x128xf32>,
    %eq3A_493 = arith.constant 31 : i32
    %eq3A_494 = vector.broadcast %eq3A_493 : i32 to vector<2500x128xi32>
    %eq3A_495 = arith.cmpi eq, %get3A_1, %eq3A_494 : vector<2500x128xi32>
    %convert_element_type3A_496 = arith.extui %eq3A_495 : vector<2500x128xi1> to vector<2500x128xi32>
    %convert_element_type3A_497 = arith.sitofp %convert_element_type3A_496 : vector<2500x128xi32> to vector<2500x128xf32>
    %reduce_sum3A_498 = vector.shape_cast %convert_element_type3A_497 : vector<2500x128xf32> to vector<1x2500x128xf32>
    %reduce_sum3A_499 = arith.constant dense<0.000000e+00> : vector<1xf32>
    %reduce_sum3A_500 = vector.multi_reduction <add>, %reduce_sum3A_498, %reduce_sum3A_499 [1, 2] : vector<1x2500x128xf32> to vector<1xf32>
    %reduce_sum3A_501 = vector.shape_cast %reduce_sum3A_500 : vector<1xf32> to vector<1x1x1xf32>
    %reduce_sum3A_502 = vector.extract %reduce_sum3A_501[0, 0, 0] : f32 from vector<1x1x1xf32>
    %broadcast_in_dim3A_503 = vector.broadcast %reduce_sum3A_502 : f32 to vector<128xf32>
    %swap3A_504 = arith.constant 31 : index
    %swap3A_505 = arith.constant 0 : index
    %swap3A_506 = vector.load %arg1[%swap3A_504, %swap3A_505] : memref<64x128xf32, #tpu.memory_space<vmem>>, vector<1x128xf32>
    %swap3A_507 = vector.shape_cast %swap3A_506 : vector<1x128xf32> to vector<128xf32>
    %swap3A_508 = vector.shape_cast %broadcast_in_dim3A_503 : vector<128xf32> to vector<1x128xf32>
    tpu.vector_store %arg1[%swap3A_504, %swap3A_505], %swap3A_508 {strides = array<i32>} : memref<64x128xf32, #tpu.memory_space<vmem>>, vector<1x128xf32>,
    %eq3A_509 = arith.constant 32 : i32
    %eq3A_510 = vector.broadcast %eq3A_509 : i32 to vector<2500x128xi32>
    %eq3A_511 = arith.cmpi eq, %get3A_1, %eq3A_510 : vector<2500x128xi32>
    %convert_element_type3A_512 = arith.extui %eq3A_511 : vector<2500x128xi1> to vector<2500x128xi32>
    %convert_element_type3A_513 = arith.sitofp %convert_element_type3A_512 : vector<2500x128xi32> to vector<2500x128xf32>
    %reduce_sum3A_514 = vector.shape_cast %convert_element_type3A_513 : vector<2500x128xf32> to vector<1x2500x128xf32>
    %reduce_sum3A_515 = arith.constant dense<0.000000e+00> : vector<1xf32>
    %reduce_sum3A_516 = vector.multi_reduction <add>, %reduce_sum3A_514, %reduce_sum3A_515 [1, 2] : vector<1x2500x128xf32> to vector<1xf32>
    %reduce_sum3A_517 = vector.shape_cast %reduce_sum3A_516 : vector<1xf32> to vector<1x1x1xf32>
    %reduce_sum3A_518 = vector.extract %reduce_sum3A_517[0, 0, 0] : f32 from vector<1x1x1xf32>
    %broadcast_in_dim3A_519 = vector.broadcast %reduce_sum3A_518 : f32 to vector<128xf32>
    %swap3A_520 = arith.constant 32 : index
    %swap3A_521 = arith.constant 0 : index
    %swap3A_522 = vector.load %arg1[%swap3A_520, %swap3A_521] : memref<64x128xf32, #tpu.memory_space<vmem>>, vector<1x128xf32>
    %swap3A_523 = vector.shape_cast %swap3A_522 : vector<1x128xf32> to vector<128xf32>
    %swap3A_524 = vector.shape_cast %broadcast_in_dim3A_519 : vector<128xf32> to vector<1x128xf32>
    tpu.vector_store %arg1[%swap3A_520, %swap3A_521], %swap3A_524 {strides = array<i32>} : memref<64x128xf32, #tpu.memory_space<vmem>>, vector<1x128xf32>,
    %eq3A_525 = arith.constant 33 : i32
    %eq3A_526 = vector.broadcast %eq3A_525 : i32 to vector<2500x128xi32>
    %eq3A_527 = arith.cmpi eq, %get3A_1, %eq3A_526 : vector<2500x128xi32>
    %convert_element_type3A_528 = arith.extui %eq3A_527 : vector<2500x128xi1> to vector<2500x128xi32>
    %convert_element_type3A_529 = arith.sitofp %convert_element_type3A_528 : vector<2500x128xi32> to vector<2500x128xf32>
    %reduce_sum3A_530 = vector.shape_cast %convert_element_type3A_529 : vector<2500x128xf32> to vector<1x2500x128xf32>
    %reduce_sum3A_531 = arith.constant dense<0.000000e+00> : vector<1xf32>
    %reduce_sum3A_532 = vector.multi_reduction <add>, %reduce_sum3A_530, %reduce_sum3A_531 [1, 2] : vector<1x2500x128xf32> to vector<1xf32>
    %reduce_sum3A_533 = vector.shape_cast %reduce_sum3A_532 : vector<1xf32> to vector<1x1x1xf32>
    %reduce_sum3A_534 = vector.extract %reduce_sum3A_533[0, 0, 0] : f32 from vector<1x1x1xf32>
    %broadcast_in_dim3A_535 = vector.broadcast %reduce_sum3A_534 : f32 to vector<128xf32>
    %swap3A_536 = arith.constant 33 : index
    %swap3A_537 = arith.constant 0 : index
    %swap3A_538 = vector.load %arg1[%swap3A_536, %swap3A_537] : memref<64x128xf32, #tpu.memory_space<vmem>>, vector<1x128xf32>
    %swap3A_539 = vector.shape_cast %swap3A_538 : vector<1x128xf32> to vector<128xf32>
    %swap3A_540 = vector.shape_cast %broadcast_in_dim3A_535 : vector<128xf32> to vector<1x128xf32>
    tpu.vector_store %arg1[%swap3A_536, %swap3A_537], %swap3A_540 {strides = array<i32>} : memref<64x128xf32, #tpu.memory_space<vmem>>, vector<1x128xf32>,
    %eq3A_541 = arith.constant 34 : i32
    %eq3A_542 = vector.broadcast %eq3A_541 : i32 to vector<2500x128xi32>
    %eq3A_543 = arith.cmpi eq, %get3A_1, %eq3A_542 : vector<2500x128xi32>
    %convert_element_type3A_544 = arith.extui %eq3A_543 : vector<2500x128xi1> to vector<2500x128xi32>
    %convert_element_type3A_545 = arith.sitofp %convert_element_type3A_544 : vector<2500x128xi32> to vector<2500x128xf32>
    %reduce_sum3A_546 = vector.shape_cast %convert_element_type3A_545 : vector<2500x128xf32> to vector<1x2500x128xf32>
    %reduce_sum3A_547 = arith.constant dense<0.000000e+00> : vector<1xf32>
    %reduce_sum3A_548 = vector.multi_reduction <add>, %reduce_sum3A_546, %reduce_sum3A_547 [1, 2] : vector<1x2500x128xf32> to vector<1xf32>
    %reduce_sum3A_549 = vector.shape_cast %reduce_sum3A_548 : vector<1xf32> to vector<1x1x1xf32>
    %reduce_sum3A_550 = vector.extract %reduce_sum3A_549[0, 0, 0] : f32 from vector<1x1x1xf32>
    %broadcast_in_dim3A_551 = vector.broadcast %reduce_sum3A_550 : f32 to vector<128xf32>
    %swap3A_552 = arith.constant 34 : index
    %swap3A_553 = arith.constant 0 : index
    %swap3A_554 = vector.load %arg1[%swap3A_552, %swap3A_553] : memref<64x128xf32, #tpu.memory_space<vmem>>, vector<1x128xf32>
    %swap3A_555 = vector.shape_cast %swap3A_554 : vector<1x128xf32> to vector<128xf32>
    %swap3A_556 = vector.shape_cast %broadcast_in_dim3A_551 : vector<128xf32> to vector<1x128xf32>
    tpu.vector_store %arg1[%swap3A_552, %swap3A_553], %swap3A_556 {strides = array<i32>} : memref<64x128xf32, #tpu.memory_space<vmem>>, vector<1x128xf32>,
    %eq3A_557 = arith.constant 35 : i32
    %eq3A_558 = vector.broadcast %eq3A_557 : i32 to vector<2500x128xi32>
    %eq3A_559 = arith.cmpi eq, %get3A_1, %eq3A_558 : vector<2500x128xi32>
    %convert_element_type3A_560 = arith.extui %eq3A_559 : vector<2500x128xi1> to vector<2500x128xi32>
    %convert_element_type3A_561 = arith.sitofp %convert_element_type3A_560 : vector<2500x128xi32> to vector<2500x128xf32>
    %reduce_sum3A_562 = vector.shape_cast %convert_element_type3A_561 : vector<2500x128xf32> to vector<1x2500x128xf32>
    %reduce_sum3A_563 = arith.constant dense<0.000000e+00> : vector<1xf32>
    %reduce_sum3A_564 = vector.multi_reduction <add>, %reduce_sum3A_562, %reduce_sum3A_563 [1, 2] : vector<1x2500x128xf32> to vector<1xf32>
    %reduce_sum3A_565 = vector.shape_cast %reduce_sum3A_564 : vector<1xf32> to vector<1x1x1xf32>
    %reduce_sum3A_566 = vector.extract %reduce_sum3A_565[0, 0, 0] : f32 from vector<1x1x1xf32>
    %broadcast_in_dim3A_567 = vector.broadcast %reduce_sum3A_566 : f32 to vector<128xf32>
    %swap3A_568 = arith.constant 35 : index
    %swap3A_569 = arith.constant 0 : index
    %swap3A_570 = vector.load %arg1[%swap3A_568, %swap3A_569] : memref<64x128xf32, #tpu.memory_space<vmem>>, vector<1x128xf32>
    %swap3A_571 = vector.shape_cast %swap3A_570 : vector<1x128xf32> to vector<128xf32>
    %swap3A_572 = vector.shape_cast %broadcast_in_dim3A_567 : vector<128xf32> to vector<1x128xf32>
    tpu.vector_store %arg1[%swap3A_568, %swap3A_569], %swap3A_572 {strides = array<i32>} : memref<64x128xf32, #tpu.memory_space<vmem>>, vector<1x128xf32>,
    %eq3A_573 = arith.constant 36 : i32
    %eq3A_574 = vector.broadcast %eq3A_573 : i32 to vector<2500x128xi32>
    %eq3A_575 = arith.cmpi eq, %get3A_1, %eq3A_574 : vector<2500x128xi32>
    %convert_element_type3A_576 = arith.extui %eq3A_575 : vector<2500x128xi1> to vector<2500x128xi32>
    %convert_element_type3A_577 = arith.sitofp %convert_element_type3A_576 : vector<2500x128xi32> to vector<2500x128xf32>
    %reduce_sum3A_578 = vector.shape_cast %convert_element_type3A_577 : vector<2500x128xf32> to vector<1x2500x128xf32>
    %reduce_sum3A_579 = arith.constant dense<0.000000e+00> : vector<1xf32>
    %reduce_sum3A_580 = vector.multi_reduction <add>, %reduce_sum3A_578, %reduce_sum3A_579 [1, 2] : vector<1x2500x128xf32> to vector<1xf32>
    %reduce_sum3A_581 = vector.shape_cast %reduce_sum3A_580 : vector<1xf32> to vector<1x1x1xf32>
    %reduce_sum3A_582 = vector.extract %reduce_sum3A_581[0, 0, 0] : f32 from vector<1x1x1xf32>
    %broadcast_in_dim3A_583 = vector.broadcast %reduce_sum3A_582 : f32 to vector<128xf32>
    %swap3A_584 = arith.constant 36 : index
    %swap3A_585 = arith.constant 0 : index
    %swap3A_586 = vector.load %arg1[%swap3A_584, %swap3A_585] : memref<64x128xf32, #tpu.memory_space<vmem>>, vector<1x128xf32>
    %swap3A_587 = vector.shape_cast %swap3A_586 : vector<1x128xf32> to vector<128xf32>
    %swap3A_588 = vector.shape_cast %broadcast_in_dim3A_583 : vector<128xf32> to vector<1x128xf32>
    tpu.vector_store %arg1[%swap3A_584, %swap3A_585], %swap3A_588 {strides = array<i32>} : memref<64x128xf32, #tpu.memory_space<vmem>>, vector<1x128xf32>,
    %eq3A_589 = arith.constant 37 : i32
    %eq3A_590 = vector.broadcast %eq3A_589 : i32 to vector<2500x128xi32>
    %eq3A_591 = arith.cmpi eq, %get3A_1, %eq3A_590 : vector<2500x128xi32>
    %convert_element_type3A_592 = arith.extui %eq3A_591 : vector<2500x128xi1> to vector<2500x128xi32>
    %convert_element_type3A_593 = arith.sitofp %convert_element_type3A_592 : vector<2500x128xi32> to vector<2500x128xf32>
    %reduce_sum3A_594 = vector.shape_cast %convert_element_type3A_593 : vector<2500x128xf32> to vector<1x2500x128xf32>
    %reduce_sum3A_595 = arith.constant dense<0.000000e+00> : vector<1xf32>
    %reduce_sum3A_596 = vector.multi_reduction <add>, %reduce_sum3A_594, %reduce_sum3A_595 [1, 2] : vector<1x2500x128xf32> to vector<1xf32>
    %reduce_sum3A_597 = vector.shape_cast %reduce_sum3A_596 : vector<1xf32> to vector<1x1x1xf32>
    %reduce_sum3A_598 = vector.extract %reduce_sum3A_597[0, 0, 0] : f32 from vector<1x1x1xf32>
    %broadcast_in_dim3A_599 = vector.broadcast %reduce_sum3A_598 : f32 to vector<128xf32>
    %swap3A_600 = arith.constant 37 : index
    %swap3A_601 = arith.constant 0 : index
    %swap3A_602 = vector.load %arg1[%swap3A_600, %swap3A_601] : memref<64x128xf32, #tpu.memory_space<vmem>>, vector<1x128xf32>
    %swap3A_603 = vector.shape_cast %swap3A_602 : vector<1x128xf32> to vector<128xf32>
    %swap3A_604 = vector.shape_cast %broadcast_in_dim3A_599 : vector<128xf32> to vector<1x128xf32>
    tpu.vector_store %arg1[%swap3A_600, %swap3A_601], %swap3A_604 {strides = array<i32>} : memref<64x128xf32, #tpu.memory_space<vmem>>, vector<1x128xf32>,
    %eq3A_605 = arith.constant 38 : i32
    %eq3A_606 = vector.broadcast %eq3A_605 : i32 to vector<2500x128xi32>
    %eq3A_607 = arith.cmpi eq, %get3A_1, %eq3A_606 : vector<2500x128xi32>
    %convert_element_type3A_608 = arith.extui %eq3A_607 : vector<2500x128xi1> to vector<2500x128xi32>
    %convert_element_type3A_609 = arith.sitofp %convert_element_type3A_608 : vector<2500x128xi32> to vector<2500x128xf32>
    %reduce_sum3A_610 = vector.shape_cast %convert_element_type3A_609 : vector<2500x128xf32> to vector<1x2500x128xf32>
    %reduce_sum3A_611 = arith.constant dense<0.000000e+00> : vector<1xf32>
    %reduce_sum3A_612 = vector.multi_reduction <add>, %reduce_sum3A_610, %reduce_sum3A_611 [1, 2] : vector<1x2500x128xf32> to vector<1xf32>
    %reduce_sum3A_613 = vector.shape_cast %reduce_sum3A_612 : vector<1xf32> to vector<1x1x1xf32>
    %reduce_sum3A_614 = vector.extract %reduce_sum3A_613[0, 0, 0] : f32 from vector<1x1x1xf32>
    %broadcast_in_dim3A_615 = vector.broadcast %reduce_sum3A_614 : f32 to vector<128xf32>
    %swap3A_616 = arith.constant 38 : index
    %swap3A_617 = arith.constant 0 : index
    %swap3A_618 = vector.load %arg1[%swap3A_616, %swap3A_617] : memref<64x128xf32, #tpu.memory_space<vmem>>, vector<1x128xf32>
    %swap3A_619 = vector.shape_cast %swap3A_618 : vector<1x128xf32> to vector<128xf32>
    %swap3A_620 = vector.shape_cast %broadcast_in_dim3A_615 : vector<128xf32> to vector<1x128xf32>
    tpu.vector_store %arg1[%swap3A_616, %swap3A_617], %swap3A_620 {strides = array<i32>} : memref<64x128xf32, #tpu.memory_space<vmem>>, vector<1x128xf32>,
    %eq3A_621 = arith.constant 39 : i32
    %eq3A_622 = vector.broadcast %eq3A_621 : i32 to vector<2500x128xi32>
    %eq3A_623 = arith.cmpi eq, %get3A_1, %eq3A_622 : vector<2500x128xi32>
    %convert_element_type3A_624 = arith.extui %eq3A_623 : vector<2500x128xi1> to vector<2500x128xi32>
    %convert_element_type3A_625 = arith.sitofp %convert_element_type3A_624 : vector<2500x128xi32> to vector<2500x128xf32>
    %reduce_sum3A_626 = vector.shape_cast %convert_element_type3A_625 : vector<2500x128xf32> to vector<1x2500x128xf32>
    %reduce_sum3A_627 = arith.constant dense<0.000000e+00> : vector<1xf32>
    %reduce_sum3A_628 = vector.multi_reduction <add>, %reduce_sum3A_626, %reduce_sum3A_627 [1, 2] : vector<1x2500x128xf32> to vector<1xf32>
    %reduce_sum3A_629 = vector.shape_cast %reduce_sum3A_628 : vector<1xf32> to vector<1x1x1xf32>
    %reduce_sum3A_630 = vector.extract %reduce_sum3A_629[0, 0, 0] : f32 from vector<1x1x1xf32>
    %broadcast_in_dim3A_631 = vector.broadcast %reduce_sum3A_630 : f32 to vector<128xf32>
    %swap3A_632 = arith.constant 39 : index
    %swap3A_633 = arith.constant 0 : index
    %swap3A_634 = vector.load %arg1[%swap3A_632, %swap3A_633] : memref<64x128xf32, #tpu.memory_space<vmem>>, vector<1x128xf32>
    %swap3A_635 = vector.shape_cast %swap3A_634 : vector<1x128xf32> to vector<128xf32>
    %swap3A_636 = vector.shape_cast %broadcast_in_dim3A_631 : vector<128xf32> to vector<1x128xf32>
    tpu.vector_store %arg1[%swap3A_632, %swap3A_633], %swap3A_636 {strides = array<i32>} : memref<64x128xf32, #tpu.memory_space<vmem>>, vector<1x128xf32>,
    %eq3A_637 = arith.constant 40 : i32
    %eq3A_638 = vector.broadcast %eq3A_637 : i32 to vector<2500x128xi32>
    %eq3A_639 = arith.cmpi eq, %get3A_1, %eq3A_638 : vector<2500x128xi32>
    %convert_element_type3A_640 = arith.extui %eq3A_639 : vector<2500x128xi1> to vector<2500x128xi32>
    %convert_element_type3A_641 = arith.sitofp %convert_element_type3A_640 : vector<2500x128xi32> to vector<2500x128xf32>
    %reduce_sum3A_642 = vector.shape_cast %convert_element_type3A_641 : vector<2500x128xf32> to vector<1x2500x128xf32>
    %reduce_sum3A_643 = arith.constant dense<0.000000e+00> : vector<1xf32>
    %reduce_sum3A_644 = vector.multi_reduction <add>, %reduce_sum3A_642, %reduce_sum3A_643 [1, 2] : vector<1x2500x128xf32> to vector<1xf32>
    %reduce_sum3A_645 = vector.shape_cast %reduce_sum3A_644 : vector<1xf32> to vector<1x1x1xf32>
    %reduce_sum3A_646 = vector.extract %reduce_sum3A_645[0, 0, 0] : f32 from vector<1x1x1xf32>
    %broadcast_in_dim3A_647 = vector.broadcast %reduce_sum3A_646 : f32 to vector<128xf32>
    %swap3A_648 = arith.constant 40 : index
    %swap3A_649 = arith.constant 0 : index
    %swap3A_650 = vector.load %arg1[%swap3A_648, %swap3A_649] : memref<64x128xf32, #tpu.memory_space<vmem>>, vector<1x128xf32>
    %swap3A_651 = vector.shape_cast %swap3A_650 : vector<1x128xf32> to vector<128xf32>
    %swap3A_652 = vector.shape_cast %broadcast_in_dim3A_647 : vector<128xf32> to vector<1x128xf32>
    tpu.vector_store %arg1[%swap3A_648, %swap3A_649], %swap3A_652 {strides = array<i32>} : memref<64x128xf32, #tpu.memory_space<vmem>>, vector<1x128xf32>,
    %eq3A_653 = arith.constant 41 : i32
    %eq3A_654 = vector.broadcast %eq3A_653 : i32 to vector<2500x128xi32>
    %eq3A_655 = arith.cmpi eq, %get3A_1, %eq3A_654 : vector<2500x128xi32>
    %convert_element_type3A_656 = arith.extui %eq3A_655 : vector<2500x128xi1> to vector<2500x128xi32>
    %convert_element_type3A_657 = arith.sitofp %convert_element_type3A_656 : vector<2500x128xi32> to vector<2500x128xf32>
    %reduce_sum3A_658 = vector.shape_cast %convert_element_type3A_657 : vector<2500x128xf32> to vector<1x2500x128xf32>
    %reduce_sum3A_659 = arith.constant dense<0.000000e+00> : vector<1xf32>
    %reduce_sum3A_660 = vector.multi_reduction <add>, %reduce_sum3A_658, %reduce_sum3A_659 [1, 2] : vector<1x2500x128xf32> to vector<1xf32>
    %reduce_sum3A_661 = vector.shape_cast %reduce_sum3A_660 : vector<1xf32> to vector<1x1x1xf32>
    %reduce_sum3A_662 = vector.extract %reduce_sum3A_661[0, 0, 0] : f32 from vector<1x1x1xf32>
    %broadcast_in_dim3A_663 = vector.broadcast %reduce_sum3A_662 : f32 to vector<128xf32>
    %swap3A_664 = arith.constant 41 : index
    %swap3A_665 = arith.constant 0 : index
    %swap3A_666 = vector.load %arg1[%swap3A_664, %swap3A_665] : memref<64x128xf32, #tpu.memory_space<vmem>>, vector<1x128xf32>
    %swap3A_667 = vector.shape_cast %swap3A_666 : vector<1x128xf32> to vector<128xf32>
    %swap3A_668 = vector.shape_cast %broadcast_in_dim3A_663 : vector<128xf32> to vector<1x128xf32>
    tpu.vector_store %arg1[%swap3A_664, %swap3A_665], %swap3A_668 {strides = array<i32>} : memref<64x128xf32, #tpu.memory_space<vmem>>, vector<1x128xf32>,
    %eq3A_669 = arith.constant 42 : i32
    %eq3A_670 = vector.broadcast %eq3A_669 : i32 to vector<2500x128xi32>
    %eq3A_671 = arith.cmpi eq, %get3A_1, %eq3A_670 : vector<2500x128xi32>
    %convert_element_type3A_672 = arith.extui %eq3A_671 : vector<2500x128xi1> to vector<2500x128xi32>
    %convert_element_type3A_673 = arith.sitofp %convert_element_type3A_672 : vector<2500x128xi32> to vector<2500x128xf32>
    %reduce_sum3A_674 = vector.shape_cast %convert_element_type3A_673 : vector<2500x128xf32> to vector<1x2500x128xf32>
    %reduce_sum3A_675 = arith.constant dense<0.000000e+00> : vector<1xf32>
    %reduce_sum3A_676 = vector.multi_reduction <add>, %reduce_sum3A_674, %reduce_sum3A_675 [1, 2] : vector<1x2500x128xf32> to vector<1xf32>
    %reduce_sum3A_677 = vector.shape_cast %reduce_sum3A_676 : vector<1xf32> to vector<1x1x1xf32>
    %reduce_sum3A_678 = vector.extract %reduce_sum3A_677[0, 0, 0] : f32 from vector<1x1x1xf32>
    %broadcast_in_dim3A_679 = vector.broadcast %reduce_sum3A_678 : f32 to vector<128xf32>
    %swap3A_680 = arith.constant 42 : index
    %swap3A_681 = arith.constant 0 : index
    %swap3A_682 = vector.load %arg1[%swap3A_680, %swap3A_681] : memref<64x128xf32, #tpu.memory_space<vmem>>, vector<1x128xf32>
    %swap3A_683 = vector.shape_cast %swap3A_682 : vector<1x128xf32> to vector<128xf32>
    %swap3A_684 = vector.shape_cast %broadcast_in_dim3A_679 : vector<128xf32> to vector<1x128xf32>
    tpu.vector_store %arg1[%swap3A_680, %swap3A_681], %swap3A_684 {strides = array<i32>} : memref<64x128xf32, #tpu.memory_space<vmem>>, vector<1x128xf32>,
    %eq3A_685 = arith.constant 43 : i32
    %eq3A_686 = vector.broadcast %eq3A_685 : i32 to vector<2500x128xi32>
    %eq3A_687 = arith.cmpi eq, %get3A_1, %eq3A_686 : vector<2500x128xi32>
    %convert_element_type3A_688 = arith.extui %eq3A_687 : vector<2500x128xi1> to vector<2500x128xi32>
    %convert_element_type3A_689 = arith.sitofp %convert_element_type3A_688 : vector<2500x128xi32> to vector<2500x128xf32>
    %reduce_sum3A_690 = vector.shape_cast %convert_element_type3A_689 : vector<2500x128xf32> to vector<1x2500x128xf32>
    %reduce_sum3A_691 = arith.constant dense<0.000000e+00> : vector<1xf32>
    %reduce_sum3A_692 = vector.multi_reduction <add>, %reduce_sum3A_690, %reduce_sum3A_691 [1, 2] : vector<1x2500x128xf32> to vector<1xf32>
    %reduce_sum3A_693 = vector.shape_cast %reduce_sum3A_692 : vector<1xf32> to vector<1x1x1xf32>
    %reduce_sum3A_694 = vector.extract %reduce_sum3A_693[0, 0, 0] : f32 from vector<1x1x1xf32>
    %broadcast_in_dim3A_695 = vector.broadcast %reduce_sum3A_694 : f32 to vector<128xf32>
    %swap3A_696 = arith.constant 43 : index
    %swap3A_697 = arith.constant 0 : index
    %swap3A_698 = vector.load %arg1[%swap3A_696, %swap3A_697] : memref<64x128xf32, #tpu.memory_space<vmem>>, vector<1x128xf32>
    %swap3A_699 = vector.shape_cast %swap3A_698 : vector<1x128xf32> to vector<128xf32>
    %swap3A_700 = vector.shape_cast %broadcast_in_dim3A_695 : vector<128xf32> to vector<1x128xf32>
    tpu.vector_store %arg1[%swap3A_696, %swap3A_697], %swap3A_700 {strides = array<i32>} : memref<64x128xf32, #tpu.memory_space<vmem>>, vector<1x128xf32>,
    %eq3A_701 = arith.constant 44 : i32
    %eq3A_702 = vector.broadcast %eq3A_701 : i32 to vector<2500x128xi32>
    %eq3A_703 = arith.cmpi eq, %get3A_1, %eq3A_702 : vector<2500x128xi32>
    %convert_element_type3A_704 = arith.extui %eq3A_703 : vector<2500x128xi1> to vector<2500x128xi32>
    %convert_element_type3A_705 = arith.sitofp %convert_element_type3A_704 : vector<2500x128xi32> to vector<2500x128xf32>
    %reduce_sum3A_706 = vector.shape_cast %convert_element_type3A_705 : vector<2500x128xf32> to vector<1x2500x128xf32>
    %reduce_sum3A_707 = arith.constant dense<0.000000e+00> : vector<1xf32>
    %reduce_sum3A_708 = vector.multi_reduction <add>, %reduce_sum3A_706, %reduce_sum3A_707 [1, 2] : vector<1x2500x128xf32> to vector<1xf32>
    %reduce_sum3A_709 = vector.shape_cast %reduce_sum3A_708 : vector<1xf32> to vector<1x1x1xf32>
    %reduce_sum3A_710 = vector.extract %reduce_sum3A_709[0, 0, 0] : f32 from vector<1x1x1xf32>
    %broadcast_in_dim3A_711 = vector.broadcast %reduce_sum3A_710 : f32 to vector<128xf32>
    %swap3A_712 = arith.constant 44 : index
    %swap3A_713 = arith.constant 0 : index
    %swap3A_714 = vector.load %arg1[%swap3A_712, %swap3A_713] : memref<64x128xf32, #tpu.memory_space<vmem>>, vector<1x128xf32>
    %swap3A_715 = vector.shape_cast %swap3A_714 : vector<1x128xf32> to vector<128xf32>
    %swap3A_716 = vector.shape_cast %broadcast_in_dim3A_711 : vector<128xf32> to vector<1x128xf32>
    tpu.vector_store %arg1[%swap3A_712, %swap3A_713], %swap3A_716 {strides = array<i32>} : memref<64x128xf32, #tpu.memory_space<vmem>>, vector<1x128xf32>,
    %eq3A_717 = arith.constant 45 : i32
    %eq3A_718 = vector.broadcast %eq3A_717 : i32 to vector<2500x128xi32>
    %eq3A_719 = arith.cmpi eq, %get3A_1, %eq3A_718 : vector<2500x128xi32>
    %convert_element_type3A_720 = arith.extui %eq3A_719 : vector<2500x128xi1> to vector<2500x128xi32>
    %convert_element_type3A_721 = arith.sitofp %convert_element_type3A_720 : vector<2500x128xi32> to vector<2500x128xf32>
    %reduce_sum3A_722 = vector.shape_cast %convert_element_type3A_721 : vector<2500x128xf32> to vector<1x2500x128xf32>
    %reduce_sum3A_723 = arith.constant dense<0.000000e+00> : vector<1xf32>
    %reduce_sum3A_724 = vector.multi_reduction <add>, %reduce_sum3A_722, %reduce_sum3A_723 [1, 2] : vector<1x2500x128xf32> to vector<1xf32>
    %reduce_sum3A_725 = vector.shape_cast %reduce_sum3A_724 : vector<1xf32> to vector<1x1x1xf32>
    %reduce_sum3A_726 = vector.extract %reduce_sum3A_725[0, 0, 0] : f32 from vector<1x1x1xf32>
    %broadcast_in_dim3A_727 = vector.broadcast %reduce_sum3A_726 : f32 to vector<128xf32>
    %swap3A_728 = arith.constant 45 : index
    %swap3A_729 = arith.constant 0 : index
    %swap3A_730 = vector.load %arg1[%swap3A_728, %swap3A_729] : memref<64x128xf32, #tpu.memory_space<vmem>>, vector<1x128xf32>
    %swap3A_731 = vector.shape_cast %swap3A_730 : vector<1x128xf32> to vector<128xf32>
    %swap3A_732 = vector.shape_cast %broadcast_in_dim3A_727 : vector<128xf32> to vector<1x128xf32>
    tpu.vector_store %arg1[%swap3A_728, %swap3A_729], %swap3A_732 {strides = array<i32>} : memref<64x128xf32, #tpu.memory_space<vmem>>, vector<1x128xf32>,
    %eq3A_733 = arith.constant 46 : i32
    %eq3A_734 = vector.broadcast %eq3A_733 : i32 to vector<2500x128xi32>
    %eq3A_735 = arith.cmpi eq, %get3A_1, %eq3A_734 : vector<2500x128xi32>
    %convert_element_type3A_736 = arith.extui %eq3A_735 : vector<2500x128xi1> to vector<2500x128xi32>
    %convert_element_type3A_737 = arith.sitofp %convert_element_type3A_736 : vector<2500x128xi32> to vector<2500x128xf32>
    %reduce_sum3A_738 = vector.shape_cast %convert_element_type3A_737 : vector<2500x128xf32> to vector<1x2500x128xf32>
    %reduce_sum3A_739 = arith.constant dense<0.000000e+00> : vector<1xf32>
    %reduce_sum3A_740 = vector.multi_reduction <add>, %reduce_sum3A_738, %reduce_sum3A_739 [1, 2] : vector<1x2500x128xf32> to vector<1xf32>
    %reduce_sum3A_741 = vector.shape_cast %reduce_sum3A_740 : vector<1xf32> to vector<1x1x1xf32>
    %reduce_sum3A_742 = vector.extract %reduce_sum3A_741[0, 0, 0] : f32 from vector<1x1x1xf32>
    %broadcast_in_dim3A_743 = vector.broadcast %reduce_sum3A_742 : f32 to vector<128xf32>
    %swap3A_744 = arith.constant 46 : index
    %swap3A_745 = arith.constant 0 : index
    %swap3A_746 = vector.load %arg1[%swap3A_744, %swap3A_745] : memref<64x128xf32, #tpu.memory_space<vmem>>, vector<1x128xf32>
    %swap3A_747 = vector.shape_cast %swap3A_746 : vector<1x128xf32> to vector<128xf32>
    %swap3A_748 = vector.shape_cast %broadcast_in_dim3A_743 : vector<128xf32> to vector<1x128xf32>
    tpu.vector_store %arg1[%swap3A_744, %swap3A_745], %swap3A_748 {strides = array<i32>} : memref<64x128xf32, #tpu.memory_space<vmem>>, vector<1x128xf32>,
    %eq3A_749 = arith.constant 47 : i32
    %eq3A_750 = vector.broadcast %eq3A_749 : i32 to vector<2500x128xi32>
    %eq3A_751 = arith.cmpi eq, %get3A_1, %eq3A_750 : vector<2500x128xi32>
    %convert_element_type3A_752 = arith.extui %eq3A_751 : vector<2500x128xi1> to vector<2500x128xi32>
    %convert_element_type3A_753 = arith.sitofp %convert_element_type3A_752 : vector<2500x128xi32> to vector<2500x128xf32>
    %reduce_sum3A_754 = vector.shape_cast %convert_element_type3A_753 : vector<2500x128xf32> to vector<1x2500x128xf32>
    %reduce_sum3A_755 = arith.constant dense<0.000000e+00> : vector<1xf32>
    %reduce_sum3A_756 = vector.multi_reduction <add>, %reduce_sum3A_754, %reduce_sum3A_755 [1, 2] : vector<1x2500x128xf32> to vector<1xf32>
    %reduce_sum3A_757 = vector.shape_cast %reduce_sum3A_756 : vector<1xf32> to vector<1x1x1xf32>
    %reduce_sum3A_758 = vector.extract %reduce_sum3A_757[0, 0, 0] : f32 from vector<1x1x1xf32>
    %broadcast_in_dim3A_759 = vector.broadcast %reduce_sum3A_758 : f32 to vector<128xf32>
    %swap3A_760 = arith.constant 47 : index
    %swap3A_761 = arith.constant 0 : index
    %swap3A_762 = vector.load %arg1[%swap3A_760, %swap3A_761] : memref<64x128xf32, #tpu.memory_space<vmem>>, vector<1x128xf32>
    %swap3A_763 = vector.shape_cast %swap3A_762 : vector<1x128xf32> to vector<128xf32>
    %swap3A_764 = vector.shape_cast %broadcast_in_dim3A_759 : vector<128xf32> to vector<1x128xf32>
    tpu.vector_store %arg1[%swap3A_760, %swap3A_761], %swap3A_764 {strides = array<i32>} : memref<64x128xf32, #tpu.memory_space<vmem>>, vector<1x128xf32>,
    %eq3A_765 = arith.constant 48 : i32
    %eq3A_766 = vector.broadcast %eq3A_765 : i32 to vector<2500x128xi32>
    %eq3A_767 = arith.cmpi eq, %get3A_1, %eq3A_766 : vector<2500x128xi32>
    %convert_element_type3A_768 = arith.extui %eq3A_767 : vector<2500x128xi1> to vector<2500x128xi32>
    %convert_element_type3A_769 = arith.sitofp %convert_element_type3A_768 : vector<2500x128xi32> to vector<2500x128xf32>
    %reduce_sum3A_770 = vector.shape_cast %convert_element_type3A_769 : vector<2500x128xf32> to vector<1x2500x128xf32>
    %reduce_sum3A_771 = arith.constant dense<0.000000e+00> : vector<1xf32>
    %reduce_sum3A_772 = vector.multi_reduction <add>, %reduce_sum3A_770, %reduce_sum3A_771 [1, 2] : vector<1x2500x128xf32> to vector<1xf32>
    %reduce_sum3A_773 = vector.shape_cast %reduce_sum3A_772 : vector<1xf32> to vector<1x1x1xf32>
    %reduce_sum3A_774 = vector.extract %reduce_sum3A_773[0, 0, 0] : f32 from vector<1x1x1xf32>
    %broadcast_in_dim3A_775 = vector.broadcast %reduce_sum3A_774 : f32 to vector<128xf32>
    %swap3A_776 = arith.constant 48 : index
    %swap3A_777 = arith.constant 0 : index
    %swap3A_778 = vector.load %arg1[%swap3A_776, %swap3A_777] : memref<64x128xf32, #tpu.memory_space<vmem>>, vector<1x128xf32>
    %swap3A_779 = vector.shape_cast %swap3A_778 : vector<1x128xf32> to vector<128xf32>
    %swap3A_780 = vector.shape_cast %broadcast_in_dim3A_775 : vector<128xf32> to vector<1x128xf32>
    tpu.vector_store %arg1[%swap3A_776, %swap3A_777], %swap3A_780 {strides = array<i32>} : memref<64x128xf32, #tpu.memory_space<vmem>>, vector<1x128xf32>,
    %eq3A_781 = arith.constant 49 : i32
    %eq3A_782 = vector.broadcast %eq3A_781 : i32 to vector<2500x128xi32>
    %eq3A_783 = arith.cmpi eq, %get3A_1, %eq3A_782 : vector<2500x128xi32>
    %convert_element_type3A_784 = arith.extui %eq3A_783 : vector<2500x128xi1> to vector<2500x128xi32>
    %convert_element_type3A_785 = arith.sitofp %convert_element_type3A_784 : vector<2500x128xi32> to vector<2500x128xf32>
    %reduce_sum3A_786 = vector.shape_cast %convert_element_type3A_785 : vector<2500x128xf32> to vector<1x2500x128xf32>
    %reduce_sum3A_787 = arith.constant dense<0.000000e+00> : vector<1xf32>
    %reduce_sum3A_788 = vector.multi_reduction <add>, %reduce_sum3A_786, %reduce_sum3A_787 [1, 2] : vector<1x2500x128xf32> to vector<1xf32>
    %reduce_sum3A_789 = vector.shape_cast %reduce_sum3A_788 : vector<1xf32> to vector<1x1x1xf32>
    %reduce_sum3A_790 = vector.extract %reduce_sum3A_789[0, 0, 0] : f32 from vector<1x1x1xf32>
    %broadcast_in_dim3A_791 = vector.broadcast %reduce_sum3A_790 : f32 to vector<128xf32>
    %swap3A_792 = arith.constant 49 : index
    %swap3A_793 = arith.constant 0 : index
    %swap3A_794 = vector.load %arg1[%swap3A_792, %swap3A_793] : memref<64x128xf32, #tpu.memory_space<vmem>>, vector<1x128xf32>
    %swap3A_795 = vector.shape_cast %swap3A_794 : vector<1x128xf32> to vector<128xf32>
    %swap3A_796 = vector.shape_cast %broadcast_in_dim3A_791 : vector<128xf32> to vector<1x128xf32>
    tpu.vector_store %arg1[%swap3A_792, %swap3A_793], %swap3A_796 {strides = array<i32>} : memref<64x128xf32, #tpu.memory_space<vmem>>, vector<1x128xf32>,
    %eq3A_797 = arith.constant 50 : i32
    %eq3A_798 = vector.broadcast %eq3A_797 : i32 to vector<2500x128xi32>
    %eq3A_799 = arith.cmpi eq, %get3A_1, %eq3A_798 : vector<2500x128xi32>
    %convert_element_type3A_800 = arith.extui %eq3A_799 : vector<2500x128xi1> to vector<2500x128xi32>
    %convert_element_type3A_801 = arith.sitofp %convert_element_type3A_800 : vector<2500x128xi32> to vector<2500x128xf32>
    %reduce_sum3A_802 = vector.shape_cast %convert_element_type3A_801 : vector<2500x128xf32> to vector<1x2500x128xf32>
    %reduce_sum3A_803 = arith.constant dense<0.000000e+00> : vector<1xf32>
    %reduce_sum3A_804 = vector.multi_reduction <add>, %reduce_sum3A_802, %reduce_sum3A_803 [1, 2] : vector<1x2500x128xf32> to vector<1xf32>
    %reduce_sum3A_805 = vector.shape_cast %reduce_sum3A_804 : vector<1xf32> to vector<1x1x1xf32>
    %reduce_sum3A_806 = vector.extract %reduce_sum3A_805[0, 0, 0] : f32 from vector<1x1x1xf32>
    %broadcast_in_dim3A_807 = vector.broadcast %reduce_sum3A_806 : f32 to vector<128xf32>
    %swap3A_808 = arith.constant 50 : index
    %swap3A_809 = arith.constant 0 : index
    %swap3A_810 = vector.load %arg1[%swap3A_808, %swap3A_809] : memref<64x128xf32, #tpu.memory_space<vmem>>, vector<1x128xf32>
    %swap3A_811 = vector.shape_cast %swap3A_810 : vector<1x128xf32> to vector<128xf32>
    %swap3A_812 = vector.shape_cast %broadcast_in_dim3A_807 : vector<128xf32> to vector<1x128xf32>
    tpu.vector_store %arg1[%swap3A_808, %swap3A_809], %swap3A_812 {strides = array<i32>} : memref<64x128xf32, #tpu.memory_space<vmem>>, vector<1x128xf32>,
    %eq3A_813 = arith.constant 51 : i32
    %eq3A_814 = vector.broadcast %eq3A_813 : i32 to vector<2500x128xi32>
    %eq3A_815 = arith.cmpi eq, %get3A_1, %eq3A_814 : vector<2500x128xi32>
    %convert_element_type3A_816 = arith.extui %eq3A_815 : vector<2500x128xi1> to vector<2500x128xi32>
    %convert_element_type3A_817 = arith.sitofp %convert_element_type3A_816 : vector<2500x128xi32> to vector<2500x128xf32>
    %reduce_sum3A_818 = vector.shape_cast %convert_element_type3A_817 : vector<2500x128xf32> to vector<1x2500x128xf32>
    %reduce_sum3A_819 = arith.constant dense<0.000000e+00> : vector<1xf32>
    %reduce_sum3A_820 = vector.multi_reduction <add>, %reduce_sum3A_818, %reduce_sum3A_819 [1, 2] : vector<1x2500x128xf32> to vector<1xf32>
    %reduce_sum3A_821 = vector.shape_cast %reduce_sum3A_820 : vector<1xf32> to vector<1x1x1xf32>
    %reduce_sum3A_822 = vector.extract %reduce_sum3A_821[0, 0, 0] : f32 from vector<1x1x1xf32>
    %broadcast_in_dim3A_823 = vector.broadcast %reduce_sum3A_822 : f32 to vector<128xf32>
    %swap3A_824 = arith.constant 51 : index
    %swap3A_825 = arith.constant 0 : index
    %swap3A_826 = vector.load %arg1[%swap3A_824, %swap3A_825] : memref<64x128xf32, #tpu.memory_space<vmem>>, vector<1x128xf32>
    %swap3A_827 = vector.shape_cast %swap3A_826 : vector<1x128xf32> to vector<128xf32>
    %swap3A_828 = vector.shape_cast %broadcast_in_dim3A_823 : vector<128xf32> to vector<1x128xf32>
    tpu.vector_store %arg1[%swap3A_824, %swap3A_825], %swap3A_828 {strides = array<i32>} : memref<64x128xf32, #tpu.memory_space<vmem>>, vector<1x128xf32>,
    %eq3A_829 = arith.constant 52 : i32
    %eq3A_830 = vector.broadcast %eq3A_829 : i32 to vector<2500x128xi32>
    %eq3A_831 = arith.cmpi eq, %get3A_1, %eq3A_830 : vector<2500x128xi32>
    %convert_element_type3A_832 = arith.extui %eq3A_831 : vector<2500x128xi1> to vector<2500x128xi32>
    %convert_element_type3A_833 = arith.sitofp %convert_element_type3A_832 : vector<2500x128xi32> to vector<2500x128xf32>
    %reduce_sum3A_834 = vector.shape_cast %convert_element_type3A_833 : vector<2500x128xf32> to vector<1x2500x128xf32>
    %reduce_sum3A_835 = arith.constant dense<0.000000e+00> : vector<1xf32>
    %reduce_sum3A_836 = vector.multi_reduction <add>, %reduce_sum3A_834, %reduce_sum3A_835 [1, 2] : vector<1x2500x128xf32> to vector<1xf32>
    %reduce_sum3A_837 = vector.shape_cast %reduce_sum3A_836 : vector<1xf32> to vector<1x1x1xf32>
    %reduce_sum3A_838 = vector.extract %reduce_sum3A_837[0, 0, 0] : f32 from vector<1x1x1xf32>
    %broadcast_in_dim3A_839 = vector.broadcast %reduce_sum3A_838 : f32 to vector<128xf32>
    %swap3A_840 = arith.constant 52 : index
    %swap3A_841 = arith.constant 0 : index
    %swap3A_842 = vector.load %arg1[%swap3A_840, %swap3A_841] : memref<64x128xf32, #tpu.memory_space<vmem>>, vector<1x128xf32>
    %swap3A_843 = vector.shape_cast %swap3A_842 : vector<1x128xf32> to vector<128xf32>
    %swap3A_844 = vector.shape_cast %broadcast_in_dim3A_839 : vector<128xf32> to vector<1x128xf32>
    tpu.vector_store %arg1[%swap3A_840, %swap3A_841], %swap3A_844 {strides = array<i32>} : memref<64x128xf32, #tpu.memory_space<vmem>>, vector<1x128xf32>,
    %eq3A_845 = arith.constant 53 : i32
    %eq3A_846 = vector.broadcast %eq3A_845 : i32 to vector<2500x128xi32>
    %eq3A_847 = arith.cmpi eq, %get3A_1, %eq3A_846 : vector<2500x128xi32>
    %convert_element_type3A_848 = arith.extui %eq3A_847 : vector<2500x128xi1> to vector<2500x128xi32>
    %convert_element_type3A_849 = arith.sitofp %convert_element_type3A_848 : vector<2500x128xi32> to vector<2500x128xf32>
    %reduce_sum3A_850 = vector.shape_cast %convert_element_type3A_849 : vector<2500x128xf32> to vector<1x2500x128xf32>
    %reduce_sum3A_851 = arith.constant dense<0.000000e+00> : vector<1xf32>
    %reduce_sum3A_852 = vector.multi_reduction <add>, %reduce_sum3A_850, %reduce_sum3A_851 [1, 2] : vector<1x2500x128xf32> to vector<1xf32>
    %reduce_sum3A_853 = vector.shape_cast %reduce_sum3A_852 : vector<1xf32> to vector<1x1x1xf32>
    %reduce_sum3A_854 = vector.extract %reduce_sum3A_853[0, 0, 0] : f32 from vector<1x1x1xf32>
    %broadcast_in_dim3A_855 = vector.broadcast %reduce_sum3A_854 : f32 to vector<128xf32>
    %swap3A_856 = arith.constant 53 : index
    %swap3A_857 = arith.constant 0 : index
    %swap3A_858 = vector.load %arg1[%swap3A_856, %swap3A_857] : memref<64x128xf32, #tpu.memory_space<vmem>>, vector<1x128xf32>
    %swap3A_859 = vector.shape_cast %swap3A_858 : vector<1x128xf32> to vector<128xf32>
    %swap3A_860 = vector.shape_cast %broadcast_in_dim3A_855 : vector<128xf32> to vector<1x128xf32>
    tpu.vector_store %arg1[%swap3A_856, %swap3A_857], %swap3A_860 {strides = array<i32>} : memref<64x128xf32, #tpu.memory_space<vmem>>, vector<1x128xf32>,
    %eq3A_861 = arith.constant 54 : i32
    %eq3A_862 = vector.broadcast %eq3A_861 : i32 to vector<2500x128xi32>
    %eq3A_863 = arith.cmpi eq, %get3A_1, %eq3A_862 : vector<2500x128xi32>
    %convert_element_type3A_864 = arith.extui %eq3A_863 : vector<2500x128xi1> to vector<2500x128xi32>
    %convert_element_type3A_865 = arith.sitofp %convert_element_type3A_864 : vector<2500x128xi32> to vector<2500x128xf32>
    %reduce_sum3A_866 = vector.shape_cast %convert_element_type3A_865 : vector<2500x128xf32> to vector<1x2500x128xf32>
    %reduce_sum3A_867 = arith.constant dense<0.000000e+00> : vector<1xf32>
    %reduce_sum3A_868 = vector.multi_reduction <add>, %reduce_sum3A_866, %reduce_sum3A_867 [1, 2] : vector<1x2500x128xf32> to vector<1xf32>
    %reduce_sum3A_869 = vector.shape_cast %reduce_sum3A_868 : vector<1xf32> to vector<1x1x1xf32>
    %reduce_sum3A_870 = vector.extract %reduce_sum3A_869[0, 0, 0] : f32 from vector<1x1x1xf32>
    %broadcast_in_dim3A_871 = vector.broadcast %reduce_sum3A_870 : f32 to vector<128xf32>
    %swap3A_872 = arith.constant 54 : index
    %swap3A_873 = arith.constant 0 : index
    %swap3A_874 = vector.load %arg1[%swap3A_872, %swap3A_873] : memref<64x128xf32, #tpu.memory_space<vmem>>, vector<1x128xf32>
    %swap3A_875 = vector.shape_cast %swap3A_874 : vector<1x128xf32> to vector<128xf32>
    %swap3A_876 = vector.shape_cast %broadcast_in_dim3A_871 : vector<128xf32> to vector<1x128xf32>
    tpu.vector_store %arg1[%swap3A_872, %swap3A_873], %swap3A_876 {strides = array<i32>} : memref<64x128xf32, #tpu.memory_space<vmem>>, vector<1x128xf32>,
    %eq3A_877 = arith.constant 55 : i32
    %eq3A_878 = vector.broadcast %eq3A_877 : i32 to vector<2500x128xi32>
    %eq3A_879 = arith.cmpi eq, %get3A_1, %eq3A_878 : vector<2500x128xi32>
    %convert_element_type3A_880 = arith.extui %eq3A_879 : vector<2500x128xi1> to vector<2500x128xi32>
    %convert_element_type3A_881 = arith.sitofp %convert_element_type3A_880 : vector<2500x128xi32> to vector<2500x128xf32>
    %reduce_sum3A_882 = vector.shape_cast %convert_element_type3A_881 : vector<2500x128xf32> to vector<1x2500x128xf32>
    %reduce_sum3A_883 = arith.constant dense<0.000000e+00> : vector<1xf32>
    %reduce_sum3A_884 = vector.multi_reduction <add>, %reduce_sum3A_882, %reduce_sum3A_883 [1, 2] : vector<1x2500x128xf32> to vector<1xf32>
    %reduce_sum3A_885 = vector.shape_cast %reduce_sum3A_884 : vector<1xf32> to vector<1x1x1xf32>
    %reduce_sum3A_886 = vector.extract %reduce_sum3A_885[0, 0, 0] : f32 from vector<1x1x1xf32>
    %broadcast_in_dim3A_887 = vector.broadcast %reduce_sum3A_886 : f32 to vector<128xf32>
    %swap3A_888 = arith.constant 55 : index
    %swap3A_889 = arith.constant 0 : index
    %swap3A_890 = vector.load %arg1[%swap3A_888, %swap3A_889] : memref<64x128xf32, #tpu.memory_space<vmem>>, vector<1x128xf32>
    %swap3A_891 = vector.shape_cast %swap3A_890 : vector<1x128xf32> to vector<128xf32>
    %swap3A_892 = vector.shape_cast %broadcast_in_dim3A_887 : vector<128xf32> to vector<1x128xf32>
    tpu.vector_store %arg1[%swap3A_888, %swap3A_889], %swap3A_892 {strides = array<i32>} : memref<64x128xf32, #tpu.memory_space<vmem>>, vector<1x128xf32>,
    %eq3A_893 = arith.constant 56 : i32
    %eq3A_894 = vector.broadcast %eq3A_893 : i32 to vector<2500x128xi32>
    %eq3A_895 = arith.cmpi eq, %get3A_1, %eq3A_894 : vector<2500x128xi32>
    %convert_element_type3A_896 = arith.extui %eq3A_895 : vector<2500x128xi1> to vector<2500x128xi32>
    %convert_element_type3A_897 = arith.sitofp %convert_element_type3A_896 : vector<2500x128xi32> to vector<2500x128xf32>
    %reduce_sum3A_898 = vector.shape_cast %convert_element_type3A_897 : vector<2500x128xf32> to vector<1x2500x128xf32>
    %reduce_sum3A_899 = arith.constant dense<0.000000e+00> : vector<1xf32>
    %reduce_sum3A_900 = vector.multi_reduction <add>, %reduce_sum3A_898, %reduce_sum3A_899 [1, 2] : vector<1x2500x128xf32> to vector<1xf32>
    %reduce_sum3A_901 = vector.shape_cast %reduce_sum3A_900 : vector<1xf32> to vector<1x1x1xf32>
    %reduce_sum3A_902 = vector.extract %reduce_sum3A_901[0, 0, 0] : f32 from vector<1x1x1xf32>
    %broadcast_in_dim3A_903 = vector.broadcast %reduce_sum3A_902 : f32 to vector<128xf32>
    %swap3A_904 = arith.constant 56 : index
    %swap3A_905 = arith.constant 0 : index
    %swap3A_906 = vector.load %arg1[%swap3A_904, %swap3A_905] : memref<64x128xf32, #tpu.memory_space<vmem>>, vector<1x128xf32>
    %swap3A_907 = vector.shape_cast %swap3A_906 : vector<1x128xf32> to vector<128xf32>
    %swap3A_908 = vector.shape_cast %broadcast_in_dim3A_903 : vector<128xf32> to vector<1x128xf32>
    tpu.vector_store %arg1[%swap3A_904, %swap3A_905], %swap3A_908 {strides = array<i32>} : memref<64x128xf32, #tpu.memory_space<vmem>>, vector<1x128xf32>,
    %eq3A_909 = arith.constant 57 : i32
    %eq3A_910 = vector.broadcast %eq3A_909 : i32 to vector<2500x128xi32>
    %eq3A_911 = arith.cmpi eq, %get3A_1, %eq3A_910 : vector<2500x128xi32>
    %convert_element_type3A_912 = arith.extui %eq3A_911 : vector<2500x128xi1> to vector<2500x128xi32>
    %convert_element_type3A_913 = arith.sitofp %convert_element_type3A_912 : vector<2500x128xi32> to vector<2500x128xf32>
    %reduce_sum3A_914 = vector.shape_cast %convert_element_type3A_913 : vector<2500x128xf32> to vector<1x2500x128xf32>
    %reduce_sum3A_915 = arith.constant dense<0.000000e+00> : vector<1xf32>
    %reduce_sum3A_916 = vector.multi_reduction <add>, %reduce_sum3A_914, %reduce_sum3A_915 [1, 2] : vector<1x2500x128xf32> to vector<1xf32>
    %reduce_sum3A_917 = vector.shape_cast %reduce_sum3A_916 : vector<1xf32> to vector<1x1x1xf32>
    %reduce_sum3A_918 = vector.extract %reduce_sum3A_917[0, 0, 0] : f32 from vector<1x1x1xf32>
    %broadcast_in_dim3A_919 = vector.broadcast %reduce_sum3A_918 : f32 to vector<128xf32>
    %swap3A_920 = arith.constant 57 : index
    %swap3A_921 = arith.constant 0 : index
    %swap3A_922 = vector.load %arg1[%swap3A_920, %swap3A_921] : memref<64x128xf32, #tpu.memory_space<vmem>>, vector<1x128xf32>
    %swap3A_923 = vector.shape_cast %swap3A_922 : vector<1x128xf32> to vector<128xf32>
    %swap3A_924 = vector.shape_cast %broadcast_in_dim3A_919 : vector<128xf32> to vector<1x128xf32>
    tpu.vector_store %arg1[%swap3A_920, %swap3A_921], %swap3A_924 {strides = array<i32>} : memref<64x128xf32, #tpu.memory_space<vmem>>, vector<1x128xf32>,
    %eq3A_925 = arith.constant 58 : i32
    %eq3A_926 = vector.broadcast %eq3A_925 : i32 to vector<2500x128xi32>
    %eq3A_927 = arith.cmpi eq, %get3A_1, %eq3A_926 : vector<2500x128xi32>
    %convert_element_type3A_928 = arith.extui %eq3A_927 : vector<2500x128xi1> to vector<2500x128xi32>
    %convert_element_type3A_929 = arith.sitofp %convert_element_type3A_928 : vector<2500x128xi32> to vector<2500x128xf32>
    %reduce_sum3A_930 = vector.shape_cast %convert_element_type3A_929 : vector<2500x128xf32> to vector<1x2500x128xf32>
    %reduce_sum3A_931 = arith.constant dense<0.000000e+00> : vector<1xf32>
    %reduce_sum3A_932 = vector.multi_reduction <add>, %reduce_sum3A_930, %reduce_sum3A_931 [1, 2] : vector<1x2500x128xf32> to vector<1xf32>
    %reduce_sum3A_933 = vector.shape_cast %reduce_sum3A_932 : vector<1xf32> to vector<1x1x1xf32>
    %reduce_sum3A_934 = vector.extract %reduce_sum3A_933[0, 0, 0] : f32 from vector<1x1x1xf32>
    %broadcast_in_dim3A_935 = vector.broadcast %reduce_sum3A_934 : f32 to vector<128xf32>
    %swap3A_936 = arith.constant 58 : index
    %swap3A_937 = arith.constant 0 : index
    %swap3A_938 = vector.load %arg1[%swap3A_936, %swap3A_937] : memref<64x128xf32, #tpu.memory_space<vmem>>, vector<1x128xf32>
    %swap3A_939 = vector.shape_cast %swap3A_938 : vector<1x128xf32> to vector<128xf32>
    %swap3A_940 = vector.shape_cast %broadcast_in_dim3A_935 : vector<128xf32> to vector<1x128xf32>
    tpu.vector_store %arg1[%swap3A_936, %swap3A_937], %swap3A_940 {strides = array<i32>} : memref<64x128xf32, #tpu.memory_space<vmem>>, vector<1x128xf32>,
    %eq3A_941 = arith.constant 59 : i32
    %eq3A_942 = vector.broadcast %eq3A_941 : i32 to vector<2500x128xi32>
    %eq3A_943 = arith.cmpi eq, %get3A_1, %eq3A_942 : vector<2500x128xi32>
    %convert_element_type3A_944 = arith.extui %eq3A_943 : vector<2500x128xi1> to vector<2500x128xi32>
    %convert_element_type3A_945 = arith.sitofp %convert_element_type3A_944 : vector<2500x128xi32> to vector<2500x128xf32>
    %reduce_sum3A_946 = vector.shape_cast %convert_element_type3A_945 : vector<2500x128xf32> to vector<1x2500x128xf32>
    %reduce_sum3A_947 = arith.constant dense<0.000000e+00> : vector<1xf32>
    %reduce_sum3A_948 = vector.multi_reduction <add>, %reduce_sum3A_946, %reduce_sum3A_947 [1, 2] : vector<1x2500x128xf32> to vector<1xf32>
    %reduce_sum3A_949 = vector.shape_cast %reduce_sum3A_948 : vector<1xf32> to vector<1x1x1xf32>
    %reduce_sum3A_950 = vector.extract %reduce_sum3A_949[0, 0, 0] : f32 from vector<1x1x1xf32>
    %broadcast_in_dim3A_951 = vector.broadcast %reduce_sum3A_950 : f32 to vector<128xf32>
    %swap3A_952 = arith.constant 59 : index
    %swap3A_953 = arith.constant 0 : index
    %swap3A_954 = vector.load %arg1[%swap3A_952, %swap3A_953] : memref<64x128xf32, #tpu.memory_space<vmem>>, vector<1x128xf32>
    %swap3A_955 = vector.shape_cast %swap3A_954 : vector<1x128xf32> to vector<128xf32>
    %swap3A_956 = vector.shape_cast %broadcast_in_dim3A_951 : vector<128xf32> to vector<1x128xf32>
    tpu.vector_store %arg1[%swap3A_952, %swap3A_953], %swap3A_956 {strides = array<i32>} : memref<64x128xf32, #tpu.memory_space<vmem>>, vector<1x128xf32>,
    %eq3A_957 = arith.constant 60 : i32
    %eq3A_958 = vector.broadcast %eq3A_957 : i32 to vector<2500x128xi32>
    %eq3A_959 = arith.cmpi eq, %get3A_1, %eq3A_958 : vector<2500x128xi32>
    %convert_element_type3A_960 = arith.extui %eq3A_959 : vector<2500x128xi1> to vector<2500x128xi32>
    %convert_element_type3A_961 = arith.sitofp %convert_element_type3A_960 : vector<2500x128xi32> to vector<2500x128xf32>
    %reduce_sum3A_962 = vector.shape_cast %convert_element_type3A_961 : vector<2500x128xf32> to vector<1x2500x128xf32>
    %reduce_sum3A_963 = arith.constant dense<0.000000e+00> : vector<1xf32>
    %reduce_sum3A_964 = vector.multi_reduction <add>, %reduce_sum3A_962, %reduce_sum3A_963 [1, 2] : vector<1x2500x128xf32> to vector<1xf32>
    %reduce_sum3A_965 = vector.shape_cast %reduce_sum3A_964 : vector<1xf32> to vector<1x1x1xf32>
    %reduce_sum3A_966 = vector.extract %reduce_sum3A_965[0, 0, 0] : f32 from vector<1x1x1xf32>
    %broadcast_in_dim3A_967 = vector.broadcast %reduce_sum3A_966 : f32 to vector<128xf32>
    %swap3A_968 = arith.constant 60 : index
    %swap3A_969 = arith.constant 0 : index
    %swap3A_970 = vector.load %arg1[%swap3A_968, %swap3A_969] : memref<64x128xf32, #tpu.memory_space<vmem>>, vector<1x128xf32>
    %swap3A_971 = vector.shape_cast %swap3A_970 : vector<1x128xf32> to vector<128xf32>
    %swap3A_972 = vector.shape_cast %broadcast_in_dim3A_967 : vector<128xf32> to vector<1x128xf32>
    tpu.vector_store %arg1[%swap3A_968, %swap3A_969], %swap3A_972 {strides = array<i32>} : memref<64x128xf32, #tpu.memory_space<vmem>>, vector<1x128xf32>,
    %eq3A_973 = arith.constant 61 : i32
    %eq3A_974 = vector.broadcast %eq3A_973 : i32 to vector<2500x128xi32>
    %eq3A_975 = arith.cmpi eq, %get3A_1, %eq3A_974 : vector<2500x128xi32>
    %convert_element_type3A_976 = arith.extui %eq3A_975 : vector<2500x128xi1> to vector<2500x128xi32>
    %convert_element_type3A_977 = arith.sitofp %convert_element_type3A_976 : vector<2500x128xi32> to vector<2500x128xf32>
    %reduce_sum3A_978 = vector.shape_cast %convert_element_type3A_977 : vector<2500x128xf32> to vector<1x2500x128xf32>
    %reduce_sum3A_979 = arith.constant dense<0.000000e+00> : vector<1xf32>
    %reduce_sum3A_980 = vector.multi_reduction <add>, %reduce_sum3A_978, %reduce_sum3A_979 [1, 2] : vector<1x2500x128xf32> to vector<1xf32>
    %reduce_sum3A_981 = vector.shape_cast %reduce_sum3A_980 : vector<1xf32> to vector<1x1x1xf32>
    %reduce_sum3A_982 = vector.extract %reduce_sum3A_981[0, 0, 0] : f32 from vector<1x1x1xf32>
    %broadcast_in_dim3A_983 = vector.broadcast %reduce_sum3A_982 : f32 to vector<128xf32>
    %swap3A_984 = arith.constant 61 : index
    %swap3A_985 = arith.constant 0 : index
    %swap3A_986 = vector.load %arg1[%swap3A_984, %swap3A_985] : memref<64x128xf32, #tpu.memory_space<vmem>>, vector<1x128xf32>
    %swap3A_987 = vector.shape_cast %swap3A_986 : vector<1x128xf32> to vector<128xf32>
    %swap3A_988 = vector.shape_cast %broadcast_in_dim3A_983 : vector<128xf32> to vector<1x128xf32>
    tpu.vector_store %arg1[%swap3A_984, %swap3A_985], %swap3A_988 {strides = array<i32>} : memref<64x128xf32, #tpu.memory_space<vmem>>, vector<1x128xf32>,
    %eq3A_989 = arith.constant 62 : i32
    %eq3A_990 = vector.broadcast %eq3A_989 : i32 to vector<2500x128xi32>
    %eq3A_991 = arith.cmpi eq, %get3A_1, %eq3A_990 : vector<2500x128xi32>
    %convert_element_type3A_992 = arith.extui %eq3A_991 : vector<2500x128xi1> to vector<2500x128xi32>
    %convert_element_type3A_993 = arith.sitofp %convert_element_type3A_992 : vector<2500x128xi32> to vector<2500x128xf32>
    %reduce_sum3A_994 = vector.shape_cast %convert_element_type3A_993 : vector<2500x128xf32> to vector<1x2500x128xf32>
    %reduce_sum3A_995 = arith.constant dense<0.000000e+00> : vector<1xf32>
    %reduce_sum3A_996 = vector.multi_reduction <add>, %reduce_sum3A_994, %reduce_sum3A_995 [1, 2] : vector<1x2500x128xf32> to vector<1xf32>
    %reduce_sum3A_997 = vector.shape_cast %reduce_sum3A_996 : vector<1xf32> to vector<1x1x1xf32>
    %reduce_sum3A_998 = vector.extract %reduce_sum3A_997[0, 0, 0] : f32 from vector<1x1x1xf32>
    %broadcast_in_dim3A_999 = vector.broadcast %reduce_sum3A_998 : f32 to vector<128xf32>
    %swap3A_1000 = arith.constant 62 : index
    %swap3A_1001 = arith.constant 0 : index
    %swap3A_1002 = vector.load %arg1[%swap3A_1000, %swap3A_1001] : memref<64x128xf32, #tpu.memory_space<vmem>>, vector<1x128xf32>
    %swap3A_1003 = vector.shape_cast %swap3A_1002 : vector<1x128xf32> to vector<128xf32>
    %swap3A_1004 = vector.shape_cast %broadcast_in_dim3A_999 : vector<128xf32> to vector<1x128xf32>
    tpu.vector_store %arg1[%swap3A_1000, %swap3A_1001], %swap3A_1004 {strides = array<i32>} : memref<64x128xf32, #tpu.memory_space<vmem>>, vector<1x128xf32>,
    %eq3A_1005 = arith.constant 63 : i32
    %eq3A_1006 = vector.broadcast %eq3A_1005 : i32 to vector<2500x128xi32>
    %eq3A_1007 = arith.cmpi eq, %get3A_1, %eq3A_1006 : vector<2500x128xi32>
    %convert_element_type3A_1008 = arith.extui %eq3A_1007 : vector<2500x128xi1> to vector<2500x128xi32>
    %convert_element_type3A_1009 = arith.sitofp %convert_element_type3A_1008 : vector<2500x128xi32> to vector<2500x128xf32>
    %reduce_sum3A_1010 = vector.shape_cast %convert_element_type3A_1009 : vector<2500x128xf32> to vector<1x2500x128xf32>
    %reduce_sum3A_1011 = arith.constant dense<0.000000e+00> : vector<1xf32>
    %reduce_sum3A_1012 = vector.multi_reduction <add>, %reduce_sum3A_1010, %reduce_sum3A_1011 [1, 2] : vector<1x2500x128xf32> to vector<1xf32>
    %reduce_sum3A_1013 = vector.shape_cast %reduce_sum3A_1012 : vector<1xf32> to vector<1x1x1xf32>
    %reduce_sum3A_1014 = vector.extract %reduce_sum3A_1013[0, 0, 0] : f32 from vector<1x1x1xf32>
    %broadcast_in_dim3A_1015 = vector.broadcast %reduce_sum3A_1014 : f32 to vector<128xf32>
    %swap3A_1016 = arith.constant 63 : index
    %swap3A_1017 = arith.constant 0 : index
    %swap3A_1018 = vector.load %arg1[%swap3A_1016, %swap3A_1017] : memref<64x128xf32, #tpu.memory_space<vmem>>, vector<1x128xf32>
    %swap3A_1019 = vector.shape_cast %swap3A_1018 : vector<1x128xf32> to vector<128xf32>
    %swap3A_1020 = vector.shape_cast %broadcast_in_dim3A_1015 : vector<128xf32> to vector<1x128xf32>
    tpu.vector_store %arg1[%swap3A_1016, %swap3A_1017], %swap3A_1020 {strides = array<i32>} : memref<64x128xf32, #tpu.memory_space<vmem>>, vector<1x128xf32>,
    return
  }
}

module attributes {stable_mosaic.version = 14 : i64} {
  func.func @body(%arg0: memref<2x64x128xf32, #tpu.memory_space<vmem>>, %arg1: memref<64x128xf32, #tpu.memory_space<vmem>>, %arg2: memref<64x128xf32, #tpu.memory_space<vmem>>, %arg3: memref<64x128xf32, #tpu.memory_space<vmem>>) attributes {dimension_semantics = [], scalar_prefetch = 0 : i64, scratch_operands = 0 : i64, tpu.core_type = #tpu.core_type<tc>} {
    %get3A = arith.constant 0 : index
    %get3A_0 = arith.constant 0 : index
    %get3A_1 = arith.constant 0 : index
    %get3A_2 = vector.load %arg0[%get3A, %get3A_0, %get3A_1] : memref<2x64x128xf32, #tpu.memory_space<vmem>>, vector<1x64x128xf32>
    %get3A_3 = vector.shape_cast %get3A_2 : vector<1x64x128xf32> to vector<64x128xf32>
    %get3A_4 = arith.constant 1 : index
    %get3A_5 = arith.constant 0 : index
    %get3A_6 = arith.constant 0 : index
    %get3A_7 = vector.load %arg0[%get3A_4, %get3A_5, %get3A_6] : memref<2x64x128xf32, #tpu.memory_space<vmem>>, vector<1x64x128xf32>
    %get3A_8 = vector.shape_cast %get3A_7 : vector<1x64x128xf32> to vector<64x128xf32>
    %add3A = arith.addf %get3A_3, %get3A_8 : vector<64x128xf32>
    %get3A_9 = arith.constant 0 : index
    %get3A_10 = arith.constant 0 : index
    %get3A_11 = vector.load %arg1[%get3A_9, %get3A_10] : memref<64x128xf32, #tpu.memory_space<vmem>>, vector<64x128xf32>
    %add3A_12 = arith.addf %add3A, %get3A_11 : vector<64x128xf32>
    %get3A_13 = arith.constant 0 : index
    %get3A_14 = arith.constant 0 : index
    %get3A_15 = vector.load %arg2[%get3A_13, %get3A_14] : memref<64x128xf32, #tpu.memory_space<vmem>>, vector<64x128xf32>
    %div3A = arith.divf %add3A_12, %get3A_15 : vector<64x128xf32>
    %swap3A = arith.constant 0 : index
    %swap3A_16 = arith.constant 0 : index
    %swap3A_17 = vector.load %arg3[%swap3A, %swap3A_16] : memref<64x128xf32, #tpu.memory_space<vmem>>, vector<64x128xf32>
    tpu.vector_store %arg3[%swap3A, %swap3A_16], %div3A {strides = array<i32>} : memref<64x128xf32, #tpu.memory_space<vmem>>, vector<64x128xf32>,
    return
  }
}

</mosaic_0001>

<sc_bundles>
// kernel: kernel.6.cloned.1.call-start
scs
__scs_entry_jumppad:
0x0: {  	(pc) =	sbr.rel $0x88, $3  }
0x1: {  	(tag) =	ssettag $0x0;
	lr =	simm.s32 $0x1  }
0x2: {  	[smem:$0x3F9F] =	sst lr;
	_ =	strace $0xD0000000  }
0x3: {  	_ = 	snop  }
0x4: {  	_ = 	snop  }
0x5: {  	_ = 	snop  }
0x6: {  	_ = 	snop  }
0x7: {  	_ = 	snop  }
__scs_overlays_trampoline_lowered:
0x8: {  	[smem:$0x3FAE] =	sst s0  }
0x9: {  	[smem:$0x3FAF] =	sst s1  }
0xa: {  	[smem:$0x3FB0] =	sst s2  }
0xb: {  	[smem:$0x3FB1] =	sst s3  }
0xc: {  	[smem:$0x3FB2] =	sst s4  }
0xd: {  	[smem:$0x3FB3] =	sst s5  }
0xe: {  	[smem:$0x3FB4] =	sst s6  }
0xf: {  	[smem:$0x3FB5] =	sst s7  }
0x10: {  	[smem:$0x3FB6] =	sst s8  }
0x11: {  	[smem:$0x3FB7] =	sst s9;
	s0 =	simm.s32 @!p0 $0x0  }
0x12: {  	s1 =	sld [smem:$0x3F9D];
	s0 =	simm.s32 @p0 $0x1  }
0x13: {  	[smem:$0x3FB8] =	sst s0;
	s0 =	simm.s32 @!p1 $0x0  }
0x14: {  	s2 =	sld [smem:$0x3F9C];
	s0 =	simm.s32 @p1 $0x1  }
0x15: {  	[smem:$0x3FB9] =	sst s0;
	s0 =	simm.s32 @!p2 $0x0  }
0x16: {  	s3 =	sld [smem:$0x3FDB];
	s0 =	simm.s32 @p2 $0x1  }
0x17: {  	s4 =	simm.s32 $0x1BF5;
	[smem:$0x3FBB] =	sst s0  }
0x18: {  	s0 =	sld [smem:$0x3F9E];
	_ =	swait.ge [sflag:s4], $0x0  }
0x19: {  	s7 =	sld [smem:$0x3F9F]  }
0x1a: {  	s8 =	sadd.s32 $0xFFFFE003, lr  }
0x1b: {  	s9 =	sadd.s32 $0xFFFFFEF7, lr;
	s5 =	simm.s32 $0xFFFFFFFF;
	p2 =	slt.u32 s8, $0xFFFFF086  }
0x1c: {  	p1 =	slt.u32 s9, $0xF7A;
	s5 =	simm.s32 @!p2 $0x0  }
0x1d: {  	s5 =	simm.s32 @p1 $0x1;
	p0 =	seq.s32 s7, s2  }
0x1e: {  	s7 =	smul.u32 @!p0 $0xF7A, s2;
	p2 =	seq.s32 @!p0 s5, $0x0  }
0x1f: {  	s9 =	smul.u32 $0xF7A, s1;
	s8 =	simm.s32 @!p0 $0x1BF5;
	p2 =	por !p2, p0  }
0x20: {  	[sflag:s8] =	ssyncset.s32 @!p0 $0xFFFFF086;
	s6 =	sadd.s32 @!p0 s3, s7;
	s7 =	simm.s32 @!p0 $0x108  }
0x21: {  	s3 =	sadd.s32 s3, s9;
	s6 =	sadd.s32 @!p0 $0x88, s6;
	s7 =	simm.s32 @p2 $0x1082  }
0x22: {  	[simem:s7], [sflag:s8] =	dma.local @!p0 [hbm:s6], $0xF7A  }
0x23: {  	s9 =	sor.u32 $0xD0000000, s2;
	s6 =	simm.s32 $0x108;
	_ =	swait.ge @!p0 [sflag:s8], $0x0  }
0x24: {  	s3 =	sadd.s32 $0x88, s3;
	s6 =	simm.s32 @!p1 $0x1082;
	[sflag:s4] =	ssyncset.s32 $0xFFFFF086  }
0x25: {  	[simem:s6], [sflag:s4] =	dma.local [hbm:s3], $0xF7A  }
0x26: {  	[smem:$0x3F9F] =	sst s1;
	(tag) =	ssettag s2;
	_ =	strace s9  }
0x27: {  	s1 =	sld [smem:$0x3FAF]  }
0x28: {  	s2 =	sld [smem:$0x3FB0]  }
0x29: {  	s4 =	sld [smem:$0x3FB2]  }
0x2a: {  	p0 =	seq.s32 s5, $0x0;
	s5 =	sld [smem:$0x3FB3]  }
0x2b: {  	s6 =	sld [smem:$0x3FB4]  }
0x2c: {  	s7 =	sld [smem:$0x3FB5]  }
0x2d: {  	s3 =	simm.s32 $0x108;
	s8 =	sld [smem:$0x3FB6]  }
0x2e: {  	s3 =	simm.s32 @!p0 $0x1082;
	s9 =	sld [smem:$0x3FB7]  }
0x2f: {  	lr =	sadd.s32 s0, s3;
	s0 =	sld [smem:$0x3FAE]  }
0x30: {  	s3 =	sld [smem:$0x3FB1]  }
0x31: {  	[smem:$0x3FBA] =	sst s10  }
0x32: {  	s10 =	sld [smem:$0x3FB8];
	_ =	sdelay $0x3  }
0x33: {  	p0 =	seq.s32 s10, $0x1;
	s10 =	sld [smem:$0x3FBA];
	_ =	sdelay $0x3  }
0x34: {  	[smem:$0x3FBA] =	sst s10  }
0x35: {  	s10 =	sld [smem:$0x3FB9];
	_ =	sdelay $0x3  }
0x36: {  	p1 =	seq.s32 s10, $0x1;
	s10 =	sld [smem:$0x3FBA];
	_ =	sdelay $0x3  }
0x37: {  	[smem:$0x3FBA] =	sst s10  }
0x38: {  	s10 =	sld [smem:$0x3FBB]  }
0x39: {  	_ = 	snop;
	(pc) =	sbr.ind lr, $3  }
0x3a: {  	_ = 	snop  }
0x3b: {  	_ = 	snop  }
0x3c: {  	p2 =	seq.s32 s10, $0x1;
	s10 =	sld [smem:$0x3FBA]  }
0x3d: {  	_ =	shalt  }
0x3e: {  	_ =	shalt  }
0x3f: {  	_ =	shalt  }
0x40: {  	_ =	shalt  }
0x41: {  	_ =	shalt  }
0x42: {  	_ =	shalt  }
0x43: {  	_ =	shalt  }
0x44: {  	_ =	shalt  }
0x45: {  	_ =	shalt  }
0x46: {  	_ =	shalt  }
0x47: {  	_ =	shalt  }
0x48: {  	_ =	shalt  }
0x49: {  	_ =	shalt  }
0x4a: {  	_ =	shalt  }
0x4b: {  	_ =	shalt  }
0x4c: {  	_ =	shalt  }
0x4d: {  	_ =	shalt  }
0x4e: {  	_ =	shalt  }
0x4f: {  	_ =	shalt  }
0x50: {  	_ =	shalt  }
0x51: {  	_ =	shalt  }
0x52: {  	_ =	shalt  }
0x53: {  	_ =	shalt  }
0x54: {  	_ =	shalt  }
0x55: {  	_ =	shalt  }
0x56: {  	_ =	shalt  }
0x57: {  	_ =	shalt  }
0x58: {  	_ =	shalt  }
0x59: {  	_ =	shalt  }
0x5a: {  	_ =	shalt  }
0x5b: {  	_ =	shalt  }
0x5c: {  	_ =	shalt  }
0x5d: {  	_ =	shalt  }
0x5e: {  	_ =	shalt  }
0x5f: {  	_ =	shalt  }
0x60: {  	_ =	shalt  }
0x61: {  	_ =	shalt  }
0x62: {  	_ =	shalt  }
0x63: {  	_ =	shalt  }
0x64: {  	_ =	shalt  }
0x65: {  	_ =	shalt  }
0x66: {  	_ =	shalt  }
0x67: {  	_ =	shalt  }
0x68: {  	_ =	shalt  }
0x69: {  	_ =	shalt  }
0x6a: {  	_ =	shalt  }
0x6b: {  	_ =	shalt  }
0x6c: {  	_ =	shalt  }
0x6d: {  	_ =	shalt  }
0x6e: {  	_ =	shalt  }
0x6f: {  	_ =	shalt  }
0x70: {  	_ =	shalt  }
0x71: {  	_ =	shalt  }
0x72: {  	_ =	shalt  }
0x73: {  	_ =	shalt  }
0x74: {  	_ =	shalt  }
0x75: {  	_ =	shalt  }
0x76: {  	_ =	shalt  }
0x77: {  	_ =	shalt  }
0x78: {  	_ =	shalt  }
0x79: {  	_ =	shalt  }
0x7a: {  	_ =	shalt  }
0x7b: {  	_ =	shalt  }
0x7c: {  	_ =	shalt  }
0x7d: {  	_ =	shalt  }
0x7e: {  	_ =	shalt  }
0x7f: {  	_ =	shalt  }
0x80: {  	_ =	shalt  }
0x81: {  	_ =	shalt  }
0x82: {  	_ =	shalt  }
0x83: {  	_ =	shalt  }
0x84: {  	_ =	shalt  }
0x85: {  	_ =	shalt  }
0x86: {  	_ =	shalt  }
0x87: {  	_ =	shalt  }
.Lfunc_end0:
.L_simem_size_0:
called_computation_lowered:
.L_overlay_start_0:
0x88: {  	s2 =	sld [smem:$0x3FD9]  }
0x89: {  	s3 =	sld [smem:$0x3FFE];
	_ =	sdelay $0x1  }
0x8a: {  	s1 =	srdreg.scid  }
0x8b: {  	s0 =	sand.u32 $0x1, s1  }
0x8c: {  	s17 =	sshll.u32 s0, $0xA;
	s2 =	sadd.s32 s3, s2  }
0x8d: {  	s2 =	sadd.s32 s2, s17  }
0x8e: {  	[smem:$0x3FC6] =	sst s2  }
0x8f: {  	_ = 	snop  }
0x90: {  	s2 =	sld [smem:$0x3FC9];
	(tm) =	ssettm $0x1  }
0x91: {  	s18 =	sld [smem:$0x3FFB];
	_ =	sdelay $0x3  }
0x92: {  	_ =	strace s18  }
0x93: {  	s3 =	sld [smem:$0x3FFC];
	_ =	sdelay $0x3  }
0x94: {  	_ =	strace s3  }
0x95: {  	s3 =	sld [smem:$0x3FFD];
	_ =	sdelay $0x3  }
0x96: {  	_ =	strace s3  }
0x97: {  	_ =	strace $0x8FFFFFFF  }
0x98: {  	s19 =	sld [smem:$0x3FDB];
	_ =	sdelay $0x1  }
0x99: {  	s4 =	simm.s32 $_scs_section_size  }
0x9a: {  	s5 =	simm.s32 $_size__tile_overlayer_lowered;
	s6 =	simm.s32 $_tile_overlayer_lowered  }
0x9b: {  	s22 =	simm.s32 $0x1BFF;
	s21 =	sshll.u32 s6, $0x1;
	s3 =	sadd.s32 s4, s19  }
0x9c: {  	s7 =	simm.s32 $0x0;
	s20 =	sshll.u32 s5, $0x1;
	s5 =	sadd.s32 s21, s3  }
0x9d: {  	[timem:s7], [sflag:s22] =	dma.local [hbm:s5], s20  }
0x9e: {  	_ =	swait.ge [sflag:s22], s20  }
0x9f: {  	s4 =	ssub.s32 $0x0, s20;
	[sflag:s22] =	ssyncset.done $0x0  }
0xa0: {  	[sflag:s22] =	ssyncadd.s32 s4;
	_ =	sdelay $0x1  }
0xa1: {  	s23 =	simm.s32 $0x1B8B  }
0xa2: {  	_ =	swait.ge [sflag:s23], $0x1  }
0xa3: {  	[sflag:s23] =	ssyncset.done $0x0  }
0xa4: {  	s25 =	simm.s32 $0x1B8E;
	s24 =	sld [smem:$0x3FFE];
	[sflag:s23] =	ssyncadd.s32 $0xFFFFFFFF  }
0xa5: {  	s26 =	simm.s32 $execute0_lowered;
	[smem:$0x3FD2] =	sst s25  }
0xa6: {  	s5 =	sshll.u32 s26, $0x1;
	_ =	strace $0x80000046;
	[dreg:$0x1] =	wrdreg $0xFFFFFFFF  }
0xa7: {  	s28 =	simm.s32 $_size_execute0_lowered;
	s3 =	sadd.s32 s3, s5;
	[dreg:$0x0] =	wrdreg $0x0  }
0xa8: {  	s5 =	sshll.u32 s28, $0x1;
	[dreg:$0x2] =	wrdreg s3  }
0xa9: {  	[dreg:$0x3] =	wrdreg s5  }
0xaa: {  	[dreg:$0x4] =	wrdreg $0xC0  }
0xab: {  	_ =	task [dreg:s7], $0x5FFFF  }
0xac: {  	[dreg:$0x1] =	wrdreg $0xFFFFFFFF  }
0xad: {  	[dreg:$0x0] =	wrdreg $0x60  }
0xae: {  	[dreg:$0x2] =	wrdreg s2  }
0xaf: {  	[dreg:$0x3] =	wrdreg s24  }
0xb0: {  	[dreg:$0x4] =	wrdreg $0x1B4000  }
0xb1: {  	[dreg:$0x5] =	wrdreg $0x9  }
0xb2: {  	_ =	task.clear_ibuf [dreg:s7], $0x6FFFF;
	_ =	strace $0x90000046  }
0xb3: {  	s29 =	simm.s32 $0x9;
	_ =	strace $0x80000048  }
0xb4: {  	_ =	swait.ge [sflag:s29], $0x1  }
0xb5: {  	[sflag:s29] =	ssyncadd.s32 $0xFFFFFFFF  }
0xb6: {  	_ =	strace $0x90000048  }
0xb7: {  	_ =	sfence  }
0xb8: {  	s30 =	sld [smem:$0x0];
	_ =	sdelay $0x2  }
0xb9: {  	s31 =	sshll.u32 s1, $0xD;
	s1 =	sshrl.u32 s1, $0x2  }
0xba: {  	s3 =	sand.u32 $0x4000, s31;
	s1 =	sadd.s32 s1, s30  }
0xbb: {  	s0 =	sor.u32 s3, s0;
	s1 =	sshll.u32 s1, $0x11  }
0xbc: {  	s0 =	sor.u32 s1, s0  }
0xbd: {  	s0 =	sadd.s32 $0x8F2B, s0  }
0xbe: {  	[sflag:s0] =	ssyncadd.remote.s32 $0x1  }
0xbf: {  	_ =	sfence.sel $0xFFFF  }
0xc0: {  	[dreg:$0x0] =	wrdreg $0xFFFFFFFF;
	(pc) =	sbr.abs _section_cstart, $3  }
0xc1: {  	[dreg:$0x1] =	wrdreg $0xFFFFFFFF  }
0xc2: {  	_ =	task.clear_ibuf [dreg:s7], $0x2FFFF;
	_ =	strace $0x9FFFFFFF  }
0xc3: {  	(tm) =	ssettm $0x7FFFFFFF  }
tec
execute0_lowered:
.L_overlay_start_1:
0x0: {  	(tag) =	ssettag $0x1  }
0x1: {  	s0 =	rddreg [dreg:$0x0]  }
0x2: {  	s1 =	srdreg.scid;
	s3 =	rddreg [dreg:$0x1]  }
0x3: {  	s5 =	stileid.u32;
	s2 =	simm.s32 $0x0;
	s11 =	simm.s32 $0x5  }
0x4: {  	s12 =	simm.s32 $0xEC00;
	s13 =	simm.s32 $0x50;
	s15 =	simm.s32 $0x4C00  }
0x5: {  	s17 =	simm.s32 $0x7400;
	s19 =	simm.s32 $0x9C00;
	s21 =	simm.s32 $0xC400  }
0x6: {  	s28 =	simm.s32 $0x3;
	s29 =	simm.s32 $0x1;
	s30 =	simm.s32 $0x4  }
0x7: {  	s31 =	simm.s32 $0x0;
	s4 =	sand.u32 $0x1, s1;
	s1 =	rddreg [dreg:$0x2]  }
0x8: {  	[smem:$0x7FF] =	sst s2;
	s23 =	sshll.u32 s5, $0x9;
	s26 =	smul.u32 $0x14500, s5  }
0x9: {  	p0 =	sne.s32 s5, $0x0;
	s6 =	sshll.u32 s4, $0x4;
	s8 =	sshll.u32 s4, $0xA  }
0xa: {  	s9 =	ssub.s32 $0x2, s4;
	s4 =	smul.u32 $0x145000, s4;
	s6 =	sor.u32 s5, s6  }
0xb: {  	_ =	strace $0x80000047;
	s24 =	sadd.s32 s23, s1;
	s7 =	smul.u32 $0x480, s6  }
0xc: {  	s23 =	simm.s32 $0x11400;
	s22 =	sshrl.u32 s9, $0x1;
	s10 =	smul.u32 $0x14500, s6  }
0xd: {  	[dreg:$0x5] =	wrdreg s24;
	s24 =	simm.s32 $0x13C00;
	s6 =	smul.u32 $0xA2800, s6  }
0xe: {  	s7 =	sadd.s32 s7, s3;
	s3 =	sadd.s32 s8, s3;
	s8 =	ssub.s32 s9, s22  }
0xf: {  	s25 =	sadd.s32 s0, s10;
	s6 =	sshrl.u32 s6, $0x3;
	s10 =	simm.s32 $0x2400  }
.Ltmp0:
0x10: {  	s22 =	simm.s32 $0x2;
	s7 =	sadd.s32 $0x800, s7;
	(pc) =	sbr.rel .LBB2_1-.Ltmp0, $4  }
0x11: {  	s6 =	sadd.s32 s0, s6;
	s0 =	sadd.s32 s4, s0;
	s8 =	smax.u32 s8, $0x1  }
0x12: {  	[dreg:$0x4] =	wrdreg s7;
	s7 =	sadd.s32 $0x258000, s25;
	s6 =	sadd.s32 $0x259900, s6  }
0x13: {  	s0 =	sadd.s32 s26, s0;
	s25 =	simm.s32 $0x16400;
	s26 =	simm.s32 $0x18C00  }
0x14: {  	v0 =	vimm.f32 $0.0e+00;
	[dreg:$0x6] =	wrdreg s7;
	s7 =	sadd.s32 $0x9800, s3;
	s14 =	sadd.s32 $0x25B200, s0  }
.LBB2_7:
0x15: {  	_ =	swait.ge [sflag:s28], $0x2800  }
0x16: {  	[sflag:s28] =	ssyncset.done $0x0  }
0x17: {  	[sflag:s28] =	ssyncadd.s32 $0xFFFFD800  }
0x18: {  	_ =	swait.ge [sflag:s28], $0x2800  }
0x19: {  	[sflag:s28] =	ssyncset.done $0x0  }
0x1a: {  	[sflag:s28] =	ssyncadd.s32 $0xFFFFD800  }
0x1b: {  	_ =	swait.ge [sflag:s28], $0x2800  }
0x1c: {  	[sflag:s28] =	ssyncset.done $0x0  }
0x1d: {  	[sflag:s28] =	ssyncadd.s32 $0xFFFFD800  }
0x1e: {  	_ =	swait.ge [sflag:s28], $0x2800  }
0x1f: {  	[sflag:s28] =	ssyncset.done $0x0  }
0x20: {  	[sflag:s28] =	ssyncadd.s32 $0xFFFFD800  }
0x21: {  	_ =	swait.ge [sflag:s28], $0x2800  }
0x22: {  	[sflag:s28] =	ssyncset.done $0x0  }
0x23: {  	s0 =	sshrl.u32 @!p0 s1, $0x3;
	s31 =	sadd.s32 $0x1, s31;
	[sflag:s28] =	ssyncadd.s32 $0xFFFFD800  }
0x24: {  	s3 =	simm.s32 @!p0 $0x1C05;
	p1 =	sne.s32 s31, s8;
	[bflag:$0x0] =	sbarrier.arrive $0xFFFF  }
0x25: {  	[hbm:s7], [sflag:s3] =	dma.local @!p0 [spmem:s0], $0x400  }
.Ltmp1:
0x26: {  	_ = 	snop;
	(pc) =	sbr.rel @!p1 .LBB2_8-.Ltmp1, $4  }
0x27: {  	s0 =	simm.s32 @!p0 $0x5  }
0x28: {  	_ =	swait.ge @!p0 [sflag:s0], $0x400  }
0x29: {  	[sflag:s0] =	ssyncset.done @!p0 $0x0  }
0x2a: {  	[sflag:s0] =	ssyncadd.s32 @!p0 $0xFFFFFC00  }
.LBB2_1:
0x2b: {  	s0 =	rddreg [dreg:$0x4]  }
0x2c: {  	[tilespmem:s2], [sflag:$0x1] =	stream.linear.gather [hbm4b:s0+s2], $0x2080, $0x38;
	[tilespmem:$0x1B600] =	vst v63  }
0x2d: {  	[tilespmem:$0x2400] =	vst v0  }
0x2e: {  	[tilespmem:$0x2410] =	vst v0  }
0x2f: {  	[tilespmem:$0x2420] =	vst v0  }
0x30: {  	[tilespmem:$0x2430] =	vst v0  }
0x31: {  	[tilespmem:$0x2440] =	vst v0  }
0x32: {  	[tilespmem:$0x2450] =	vst v0  }
0x33: {  	[tilespmem:$0x2460] =	vst v0  }
0x34: {  	[tilespmem:$0x2470] =	vst v0  }
0x35: {  	[tilespmem:$0x2480] =	vst v0  }
0x36: {  	[tilespmem:$0x2490] =	vst v0  }
0x37: {  	[tilespmem:$0x24A0] =	vst v0  }
0x38: {  	[tilespmem:$0x24B0] =	vst v0  }
0x39: {  	[tilespmem:$0x24C0] =	vst v0  }
0x3a: {  	[tilespmem:$0x24D0] =	vst v0  }
0x3b: {  	[tilespmem:$0x24E0] =	vst v0  }
0x3c: {  	[tilespmem:$0x24F0] =	vst v0  }
0x3d: {  	[tilespmem:$0x2500] =	vst v0  }
0x3e: {  	[tilespmem:$0x2510] =	vst v0  }
0x3f: {  	[tilespmem:$0x2520] =	vst v0  }
0x40: {  	[tilespmem:$0x2530] =	vst v0  }
0x41: {  	[tilespmem:$0x2540] =	vst v0  }
0x42: {  	[tilespmem:$0x2550] =	vst v0  }
0x43: {  	[tilespmem:$0x2560] =	vst v0  }
0x44: {  	[tilespmem:$0x2570] =	vst v0  }
0x45: {  	[tilespmem:$0x2580] =	vst v0  }
0x46: {  	[tilespmem:$0x2590] =	vst v0  }
0x47: {  	[tilespmem:$0x25A0] =	vst v0  }
0x48: {  	[tilespmem:$0x25B0] =	vst v0  }
0x49: {  	[tilespmem:$0x25C0] =	vst v0  }
0x4a: {  	[tilespmem:$0x25D0] =	vst v0  }
0x4b: {  	[tilespmem:$0x25E0] =	vst v0  }
0x4c: {  	s4 =	rddreg [dreg:$0x5];
	[tilespmem:$0x25F0] =	vst v0  }
0x4d: {  	[spmem:s4] =	stream.linear.scatter [tilespmem:s10], [sflag:$0x5], $0x200, $0x38;
	[tilespmem:$0x1B600] =	vst v63  }
0x4e: {  	_ =	swait.ge [sflag:s11], $0x200  }
0x4f: {  	[sflag:s11] =	ssyncset.done $0x0  }
0x50: {  	[sflag:s11] =	ssyncadd.s32 $0xFFFFFE00  }
0x51: {  	_ =	swait.ge [sflag:s29], $0x2080  }
0x52: {  	[sflag:s29] =	ssyncset.done $0x0  }
0x53: {  	[sflag:s29] =	ssyncadd.s32 $0xFFFFDF80  }
0x54: {  	[bflag:$0x0] =	sbarrier.arrive $0xFFFF  }
0x55: {  	s5 =	rddreg [dreg:$0x6]  }
0x56: {  	[tilespmem:s10], [sflag:$0x1] =	stream.linear.gather [hbm4b:s5+s2], $0xC800, $0x38;
	[tilespmem:$0x1B600] =	vst v63  }
0x57: {  	_ = 	snop  }
0x58: {  	[tilespmem:s12], [sflag:$0x2] =	stream.linear.gather [hbm4b:s6+s2], $0xC800, $0x38;
	[tilespmem:$0x1B600] =	vst v63  }
0x59: {  	_ =	swait.ge [sflag:s29], $0xC800  }
0x5a: {  	[sflag:s29] =	ssyncset.done $0x0  }
0x5b: {  	[sflag:s29] =	ssyncadd.s32 $0xFFFF3800  }
0x5c: {  	[spmem:s1] =	stream.indirect.scatter.add.f32 [tilespmem:s10], [sflag:$0x3], $0x80, s2, s13, $0xb8;
	[tilespmem:$0x1B600] =	vst v63  }
0x5d: {  	s9 =	simm.s32 $0x80  }
0x5e: {  	[spmem:s1] =	stream.indirect.scatter.add.f32 [tilespmem:s15], [sflag:$0x3], $0x80, s9, s13, $0xb8;
	[tilespmem:$0x1B600] =	vst v63  }
0x5f: {  	s16 =	simm.s32 $0x100  }
0x60: {  	[spmem:s1] =	stream.indirect.scatter.add.f32 [tilespmem:s17], [sflag:$0x3], $0x80, s16, s13, $0xb8;
	[tilespmem:$0x1B600] =	vst v63  }
.Ltmp2:
0x61: {  	_ = 	snop;
	(pc) =	sbr.rel .LBB2_2-.Ltmp2, $4  }
0x62: {  	s18 =	simm.s32 $0x180;
	s20 =	simm.s32 $0x200  }
0x63: {  	[spmem:s1] =	stream.indirect.scatter.add.f32 [tilespmem:s19], [sflag:$0x3], $0x80, s18, s13, $0xb8;
	[tilespmem:$0x1B600] =	vst v63  }
0x64: {  	s0 =	simm.s32 $0x0;
	s9 =	smov.u32 s14;
	s16 =	simm.s32 $0x1  }
0x65: {  	[spmem:s1] =	stream.indirect.scatter.add.f32 [tilespmem:s21], [sflag:$0x3], $0x80, s20, s13, $0xb8;
	[tilespmem:$0x1B600] =	vst v63  }
.LBB2_5:
0x66: {  	_ =	swait.ge [sflag:s22], $0xC800  }
0x67: {  	[sflag:s22] =	ssyncset.done $0x0  }
0x68: {  	[sflag:s22] =	ssyncadd.s32 $0xFFFF3800  }
0x69: {  	[spmem:s1] =	stream.indirect.scatter.add.f32 [tilespmem:s12], [sflag:$0x4], $0x80, s5, s13, $0xb8;
	[tilespmem:$0x1B600] =	vst v63  }
0x6a: {  	_ = 	snop  }
0x6b: {  	[spmem:s1] =	stream.indirect.scatter.add.f32 [tilespmem:s23], [sflag:$0x4], $0x80, s4, s13, $0xb8;
	[tilespmem:$0x1B600] =	vst v63  }
0x6c: {  	_ = 	snop  }
0x6d: {  	[spmem:s1] =	stream.indirect.scatter.add.f32 [tilespmem:s24], [sflag:$0x4], $0x80, s3, s13, $0xb8;
	[tilespmem:$0x1B600] =	vst v63  }
0x6e: {  	_ = 	snop  }
0x6f: {  	[spmem:s1] =	stream.indirect.scatter.add.f32 [tilespmem:s25], [sflag:$0x4], $0x80, s20, s13, $0xb8;
	[tilespmem:$0x1B600] =	vst v63  }
0x70: {  	_ = 	snop  }
0x71: {  	[spmem:s1] =	stream.indirect.scatter.add.f32 [tilespmem:s26], [sflag:$0x4], $0x80, s18, s13, $0xb8;
	[tilespmem:$0x1B600] =	vst v63  }
0x72: {  	_ =	swait.ge [sflag:s28], $0x2800  }
0x73: {  	[sflag:s28] =	ssyncset.done $0x0  }
0x74: {  	[sflag:s28] =	ssyncadd.s32 $0xFFFFD800  }
0x75: {  	_ =	swait.ge [sflag:s28], $0x2800  }
0x76: {  	[sflag:s28] =	ssyncset.done $0x0  }
0x77: {  	[sflag:s28] =	ssyncadd.s32 $0xFFFFD800  }
0x78: {  	_ =	swait.ge [sflag:s28], $0x2800  }
0x79: {  	[sflag:s28] =	ssyncset.done $0x0  }
0x7a: {  	[sflag:s28] =	ssyncadd.s32 $0xFFFFD800  }
0x7b: {  	_ =	swait.ge [sflag:s28], $0x2800  }
0x7c: {  	[sflag:s28] =	ssyncset.done $0x0  }
0x7d: {  	[sflag:s28] =	ssyncadd.s32 $0xFFFFD800  }
0x7e: {  	_ =	swait.ge [sflag:s28], $0x2800  }
0x7f: {  	[sflag:s28] =	ssyncset.done $0x0  }
0x80: {  	[sflag:s28] =	ssyncadd.s32 $0xFFFFD800  }
0x81: {  	[tilespmem:s10], [sflag:$0x1] =	stream.linear.gather [hbm4b:s9+s2], $0xC800, $0x38;
	[tilespmem:$0x1B600] =	vst v63  }
.LBB2_6:
0x82: {  	s0 =	sadd.s32 $0xA00, s0  }
0x83: {  	p1 =	sne.s32 s0, $0x7800  }
.Ltmp3:
0x84: {  	_ = 	snop;
	(pc) =	sbr.rel @!p1 .LBB2_7-.Ltmp3, $2  }
0x85: {  	_ =	sdelay $0x2  }
0x86: {  	s16 =	sadd.s32 $0x1, s16;
	s9 =	sadd.s32 $0x1900, s9  }
.LBB2_2:
0x87: {  	s3 =	sand.u32 $0x1, s16  }
0x88: {  	p1 =	seq.s32 s3, $0x1  }
.Ltmp4:
0x89: {  	_ = 	snop;
	(pc) =	sbr.rel @p1 .LBB2_5-.Ltmp4, $4  }
0x8a: {  	_ = 	snop  }
0x8b: {  	s18 =	sshra.s32 s0, $0x2  }
0x8c: {  	s5 =	sadd.s32 $0x280, s18;
	s4 =	sadd.s32 $0x300, s18  }
0x8d: {  	s3 =	sadd.s32 $0x380, s18;
	s20 =	sadd.s32 $0x400, s18;
	s18 =	sadd.s32 $0x480, s18  }
0x8e: {  	_ =	swait.ge [sflag:s29], $0xC800  }
0x8f: {  	[sflag:s29] =	ssyncset.done $0x0  }
0x90: {  	[sflag:s29] =	ssyncadd.s32 $0xFFFF3800  }
0x91: {  	[spmem:s1] =	stream.indirect.scatter.add.f32 [tilespmem:s10], [sflag:$0x3], $0x80, s5, s13, $0xb8;
	[tilespmem:$0x1B600] =	vst v63  }
0x92: {  	_ = 	snop  }
0x93: {  	[spmem:s1] =	stream.indirect.scatter.add.f32 [tilespmem:s15], [sflag:$0x3], $0x80, s4, s13, $0xb8;
	[tilespmem:$0x1B600] =	vst v63  }
0x94: {  	_ = 	snop  }
0x95: {  	[spmem:s1] =	stream.indirect.scatter.add.f32 [tilespmem:s17], [sflag:$0x3], $0x80, s3, s13, $0xb8;
	[tilespmem:$0x1B600] =	vst v63  }
0x96: {  	_ = 	snop  }
0x97: {  	[spmem:s1] =	stream.indirect.scatter.add.f32 [tilespmem:s19], [sflag:$0x3], $0x80, s20, s13, $0xb8;
	[tilespmem:$0x1B600] =	vst v63  }
0x98: {  	_ = 	snop  }
0x99: {  	[spmem:s1] =	stream.indirect.scatter.add.f32 [tilespmem:s21], [sflag:$0x3], $0x80, s18, s13, $0xb8;
	[tilespmem:$0x1B600] =	vst v63  }
0x9a: {  	_ =	swait.ge [sflag:s30], $0x2800  }
0x9b: {  	[sflag:s30] =	ssyncset.done $0x0  }
0x9c: {  	[sflag:s30] =	ssyncadd.s32 $0xFFFFD800  }
0x9d: {  	_ =	swait.ge [sflag:s30], $0x2800  }
0x9e: {  	[sflag:s30] =	ssyncset.done $0x0  }
0x9f: {  	[sflag:s30] =	ssyncadd.s32 $0xFFFFD800  }
0xa0: {  	_ =	swait.ge [sflag:s30], $0x2800  }
0xa1: {  	[sflag:s30] =	ssyncset.done $0x0  }
0xa2: {  	[sflag:s30] =	ssyncadd.s32 $0xFFFFD800  }
0xa3: {  	p1 =	seq.s32 s0, $0x6E00;
	_ =	swait.ge [sflag:s30], $0x2800  }
.Ltmp5:
0xa4: {  	[sflag:s30] =	ssyncset.done $0x0;
	(pc) =	sbr.rel @p1 .LBB2_7-.Ltmp5, $4  }
0xa5: {  	[sflag:s30] =	ssyncadd.s32 $0xFFFFD800  }
0xa6: {  	_ =	swait.ge [sflag:s30], $0x2800  }
0xa7: {  	[sflag:s30] =	ssyncset.done $0x0  }
0xa8: {  	[sflag:s30] =	ssyncadd.s32 $0xFFFFD800  }
.Ltmp6:
0xa9: {  	(pc) =	sbr.rel .LBB2_6-.Ltmp6, $2  }
0xaa: {  	_ =	sdelay $0x2  }
0xab: {  	[tilespmem:s12], [sflag:$0x2] =	stream.linear.gather [hbm4b:s9+s2], $0xC800, $0x38;
	[tilespmem:$0x1B600] =	vst v63  }
.LBB2_8:
0xac: {  	_ =	sfence.sel $0x180000  }
0xad: {  	[bflag:$0x0] =	sbarrier.arrive $0xFFFF  }
0xae: {  	_ =	strace $0x90000047  }
0xaf: {  	[bflag:$0x2] =	sbarrier.arrive $0xFFFF  }
0xb0: {  	s0 =	rddreg [dreg:$0x3]  }
0xb1: {  	s0 =	sadd.s32 @!p0 $0x100000, s0  }
0xb2: {  	[sflag:s0] =	ssyncadd.tile.s32 @!p0 $0x1;
	_ =	shalt  }
.Lfunc_end2:
_tile_overlayer_lowered:
.L_overlay_start_2:
0xb3: {  	(tag) =	ssettag $0x2  }
0xb4: {  	s0 =	rddreg [dreg:$0x0];
	s2 =	stileid.u32  }
0xb5: {  	s1 =	rddreg [dreg:$0x1];
	p0 =	sne.s32 s2, $0x0  }
0xb6: {  	s3 =	rddreg [dreg:$0x2];
	[bflag:$0x3] =	sbarrier.arrive $0xFFFF;
	s2 =	simm.s32 @!p0 $0x1C05  }
0xb7: {  	[timem:s3], [sflag:s2] =	dma.local @!p0 [hbm:s0], s1  }
0xb8: {  	s0 =	simm.s32 @!p0 $0x5  }
0xb9: {  	_ =	swait.ge @!p0 [sflag:s0], s1  }
0xba: {  	s1 =	ssub.s32 @!p0 $0x0, s1;
	[sflag:s0] =	ssyncset.done @!p0 $0x0  }
0xbb: {  	[sflag:s0] =	ssyncadd.s32 @!p0 s1  }
0xbc: {  	[bflag:$0x3] =	sbarrier.arrive $0xFFFF  }
0xbd: {  	_ =	shalt  }

</sc_bundles>
